<compile_context>
chip_gen: v7x
topology: tpu7x:2x2x1
jax: 0.10.2.dev20260603
libtpu: 0.0.44.dev20260713+nightly
codegen_flags: <defaults>
</compile_context>

<pallas_src>
import functools

import jax
import jax.numpy as jnp
from jax import lax
from jax.experimental import pallas as pl
from jax.experimental.pallas import tpu as pltpu
from jax.experimental.pallas import tpu_sc as plsc

BATCH = 16384
NUM_CORES = 2
NUM_SUBCORES = 16
LANES = 16
NUM_WORKERS = NUM_CORES * NUM_SUBCORES
B_PER_W = BATCH // NUM_WORKERS
NUM_ROWS = 1000000
HALF = NUM_ROWS // 2


def _bias_body(uid_hbm, iid_hbm, utabA_hbm, utabB_hbm, itabA_hbm, itabB_hbm,
               out_hbm, uidx_v, iidx_v, umod_v, imod_v,
               uvalA_v, uvalB_v, ivalA_v, ivalB_v, acc_v, sem):
    wid = lax.axis_index("s") * NUM_CORES + lax.axis_index("c")
    base = wid * B_PER_W

    cp_u = pltpu.async_copy(uid_hbm.at[pl.ds(base, B_PER_W)], uidx_v, sem)
    cp_i = pltpu.async_copy(iid_hbm.at[pl.ds(base, B_PER_W)], iidx_v, sem)
    cp_u.wait()
    cp_i.wait()

    @pl.loop(0, B_PER_W, step=LANES)
    def _(c):
        s = pl.ds(c, LANES)
        umod_v[s] = lax.rem(uidx_v[s], HALF)
        imod_v[s] = lax.rem(iidx_v[s], HALF)

    g0 = pltpu.async_copy(utabA_hbm.at[umod_v], uvalA_v, sem)
    g1 = pltpu.async_copy(utabB_hbm.at[umod_v], uvalB_v, sem)
    g2 = pltpu.async_copy(itabA_hbm.at[imod_v], ivalA_v, sem)
    g3 = pltpu.async_copy(itabB_hbm.at[imod_v], ivalB_v, sem)
    g0.wait()
    g1.wait()
    g2.wait()
    g3.wait()

    @pl.loop(0, B_PER_W, step=LANES)
    def _(c):
        s = pl.ds(c, LANES)
        u = uidx_v[s]
        i = iidx_v[s]
        uval = jnp.where(u < HALF, uvalA_v[s], uvalB_v[s])
        ival = jnp.where(i < HALF, ivalA_v[s], ivalB_v[s])
        acc_v[s] = uval + ival

    pltpu.sync_copy(acc_v, out_hbm.at[pl.ds(base, B_PER_W)])


def _squeeze_halves(table):
    return (table[:HALF].reshape(-1), table[HALF:].reshape(-1))


@jax.jit
def kernel(user_ids, item_ids, user_bias_table, item_bias_table):
    mesh = plsc.VectorSubcoreMesh(core_axis_name="c", subcore_axis_name="s")
    sc_kernel = pl.kernel(
        _bias_body,
        out_type=jax.ShapeDtypeStruct((BATCH,), jnp.float32),
        mesh=mesh,
        scratch_types=(
            [pltpu.VMEM((B_PER_W,), jnp.int32) for _ in range(4)]
            + [pltpu.VMEM((B_PER_W,), jnp.float32) for _ in range(5)]
            + [pltpu.SemaphoreType.DMA]
        ),
    )
    utabA, utabB = _squeeze_halves(user_bias_table)
    itabA, itabB = _squeeze_halves(item_bias_table)
    return sc_kernel(
        user_ids.astype(jnp.int32),
        item_ids.astype(jnp.int32),
        utabA, utabB, itabA, itabB,
    )

# --- scband reference (transcript-rebuilt; emitter-appended) ---
"""Pipeline reference for scband-bias-net-7086696038885 (READ-ONLY COPY).

The authoritative reference and input builder live on the scoring server;
editing this copy changes nothing except your own understanding.
"""

import jax, jax.numpy as jnp
import numpy as np

NUM_USERS = 1000000
NUM_ITEMS = 1000000
BATCH = 16384

def setup_inputs(seed: int = 0) -> dict:
    key = jax.random.key(seed)
    k1, k2, k3, k4 = jax.random.split(key, 4)
    user_ids = jax.random.randint(k1, (BATCH,), 0, NUM_USERS, dtype=jnp.int64) if jax.config.jax_enable_x64 else jax.random.randint(k1, (BATCH,), 0, NUM_USERS).astype(jnp.int32)
    item_ids = jax.random.randint(k2, (BATCH,), 0, NUM_ITEMS, dtype=jnp.int64) if jax.config.jax_enable_x64 else jax.random.randint(k2, (BATCH,), 0, NUM_ITEMS).astype(jnp.int32)
    # ZeroEmbedding initializes weights to zero; we use small random values for
    # numerically meaningful testing (harness may overwrite with module params).
    user_bias_table = jax.random.normal(k3, (NUM_USERS, 1), dtype=jnp.float32) * 0.01
    item_bias_table = jax.random.normal(k4, (NUM_ITEMS, 1), dtype=jnp.float32) * 0.01
    return {
        "user_ids": user_ids,
        "item_ids": item_ids,
        "user_bias_table": user_bias_table,
        "item_bias_table": item_bias_table,
    }

def reference(user_ids, item_ids, user_bias_table, item_bias_table):
    # user_bias = self.user_biases(user_ids).squeeze()
    user_bias = jnp.take(user_bias_table, user_ids, axis=0).squeeze(-1)
    # item_bias = self.item_biases(item_ids).squeeze()
    item_bias = jnp.take(item_bias_table, item_ids, axis=0).squeeze(-1)
    return user_bias + item_bias

if __name__ == "__main__":
    import jax
    _d = setup_inputs()
    print(jax.jit(kernel)(*tuple(_d.values())))

</pallas_src>

<mosaic_0001>
#map = affine_map<(d0, d1) -> (0)>
module attributes {stable_mosaic.version = 14 : i64} {
  func.func @_bias_body(%arg0: i32, %arg1: i32, %arg2: memref<16384xi32, #tpu.memory_space<hbm>>, %arg3: memref<16384xi32, #tpu.memory_space<hbm>>, %arg4: memref<500000xf32, #tpu.memory_space<hbm>>, %arg5: memref<500000xf32, #tpu.memory_space<hbm>>, %arg6: memref<500000xf32, #tpu.memory_space<hbm>>, %arg7: memref<500000xf32, #tpu.memory_space<hbm>>, %arg8: memref<16384xf32, #tpu.memory_space<hbm>>, %arg9: memref<512xi32, #tpu.memory_space<vmem>>, %arg10: memref<512xi32, #tpu.memory_space<vmem>>, %arg11: memref<512xi32, #tpu.memory_space<vmem>>, %arg12: memref<512xi32, #tpu.memory_space<vmem>>, %arg13: memref<512xf32, #tpu.memory_space<vmem>>, %arg14: memref<512xf32, #tpu.memory_space<vmem>>, %arg15: memref<512xf32, #tpu.memory_space<vmem>>, %arg16: memref<512xf32, #tpu.memory_space<vmem>>, %arg17: memref<512xf32, #tpu.memory_space<vmem>>, %arg18: memref<!tpu.dma_semaphore, #tpu.memory_space<semaphore_mem>>) attributes {dimension_semantics = [#tpu.dimension_semantics<core_parallel>, #tpu.dimension_semantics<subcore_parallel>], iteration_bounds = array<i64: 2, 16>, scalar_prefetch = 0 : i64, scratch_operands = 10 : i64, tpu.core_type = #tpu.core_type<sc_vector_subcore>, window_params = [{transform_indices = #map}, {transform_indices = #map}, {transform_indices = #map}, {transform_indices = #map}, {transform_indices = #map}, {transform_indices = #map}, {transform_indices = #map}]} {
    %mul3A = arith.constant 2 : i32
    %mul3A_0 = arith.muli %arg1, %mul3A : i32
    %add3A = arith.addi %mul3A_0, %arg0 : i32
    %mul3A_1 = arith.constant 512 : i32
    %mul3A_2 = arith.muli %add3A, %mul3A_1 : i32
    %dma_start3A = tpu.memref_slice %arg2[%mul3A_2] : memref<16384xi32, #tpu.memory_space<hbm>> -> memref<512xi32, #tpu.memory_space<hbm>>
    %dma_start3A_3 = tpu.memref_slice %arg2[%mul3A_2] : memref<16384xi32, #tpu.memory_space<hbm>> -> memref<512xi32, #tpu.memory_space<hbm>>
    tpu.enqueue_dma source(%dma_start3A_3 : memref<512xi32, #tpu.memory_space<hbm>>) target(%arg9 : memref<512xi32, #tpu.memory_space<vmem>>) target_semaphore(%arg18 : memref<!tpu.dma_semaphore, #tpu.memory_space<semaphore_mem>>)
    %dma_start3A_4 = tpu.memref_slice %arg3[%mul3A_2] : memref<16384xi32, #tpu.memory_space<hbm>> -> memref<512xi32, #tpu.memory_space<hbm>>
    %dma_start3A_5 = tpu.memref_slice %arg3[%mul3A_2] : memref<16384xi32, #tpu.memory_space<hbm>> -> memref<512xi32, #tpu.memory_space<hbm>>
    tpu.enqueue_dma source(%dma_start3A_5 : memref<512xi32, #tpu.memory_space<hbm>>) target(%arg10 : memref<512xi32, #tpu.memory_space<vmem>>) target_semaphore(%arg18 : memref<!tpu.dma_semaphore, #tpu.memory_space<semaphore_mem>>)
    %dma_wait3A = tpu.memref_slice %arg2[%mul3A_2] : memref<16384xi32, #tpu.memory_space<hbm>> -> memref<512xi32, #tpu.memory_space<hbm>>
    %dma_wait3A_6 = tpu.memref_slice %arg2[%mul3A_2] : memref<16384xi32, #tpu.memory_space<hbm>> -> memref<512xi32, #tpu.memory_space<hbm>>
    tpu.wait_dma2 semaphore(%arg18 : memref<!tpu.dma_semaphore, #tpu.memory_space<semaphore_mem>>) src(%dma_wait3A_6 : memref<512xi32, #tpu.memory_space<hbm>>) dst(%arg9 : memref<512xi32, #tpu.memory_space<vmem>>)
    %dma_wait3A_7 = tpu.memref_slice %arg3[%mul3A_2] : memref<16384xi32, #tpu.memory_space<hbm>> -> memref<512xi32, #tpu.memory_space<hbm>>
    %dma_wait3A_8 = tpu.memref_slice %arg3[%mul3A_2] : memref<16384xi32, #tpu.memory_space<hbm>> -> memref<512xi32, #tpu.memory_space<hbm>>
    tpu.wait_dma2 semaphore(%arg18 : memref<!tpu.dma_semaphore, #tpu.memory_space<semaphore_mem>>) src(%dma_wait3A_8 : memref<512xi32, #tpu.memory_space<hbm>>) dst(%arg10 : memref<512xi32, #tpu.memory_space<vmem>>)
    %scan3A = arith.constant 0 : i32
    %scan3A_9 = arith.constant 32 : i32
    %scan3A_10 = arith.addi %scan3A, %scan3A_9 : i32
    %scan3A_11 = arith.constant 1 : i32
    scf.for %scan3A_34 = %scan3A to %scan3A_10 step %scan3A_11  : i32 {
      %mul3A_35 = arith.constant 16 : i32
      %mul3A_36 = arith.muli %scan3A_34, %mul3A_35 : i32
      %add3A_37 = arith.constant 0 : i32
      %add3A_38 = arith.addi %add3A_37, %mul3A_36 : i32
      %get3A = arith.index_cast %add3A_38 : i32 to index
      %get3A_39 = tpu.vector_load %arg9[%get3A] {strides = array<i32>} : memref<512xi32, #tpu.memory_space<vmem>>, vector<16xi32>,
      %get3A_40 = vector.shape_cast %get3A_39 : vector<16xi32> to vector<16xi32>
      %rem3A = arith.constant 500000 : i32
      %rem3A_41 = vector.broadcast %rem3A : i32 to vector<16xi32>
      %rem3A_42 = arith.remsi %get3A_40, %rem3A_41 : vector<16xi32>
      %swap3A = arith.index_cast %add3A_38 : i32 to index
      %swap3A_43 = tpu.vector_load %arg11[%swap3A] {strides = array<i32>} : memref<512xi32, #tpu.memory_space<vmem>>, vector<16xi32>,
      %swap3A_44 = vector.shape_cast %swap3A_43 : vector<16xi32> to vector<16xi32>
      %swap3A_45 = vector.shape_cast %rem3A_42 : vector<16xi32> to vector<16xi32>
      tpu.vector_store %arg11[%swap3A], %swap3A_45 {strides = array<i32>} : memref<512xi32, #tpu.memory_space<vmem>>, vector<16xi32>,
      %get3A_46 = arith.index_cast %add3A_38 : i32 to index
      %get3A_47 = tpu.vector_load %arg10[%get3A_46] {strides = array<i32>} : memref<512xi32, #tpu.memory_space<vmem>>, vector<16xi32>,
      %get3A_48 = vector.shape_cast %get3A_47 : vector<16xi32> to vector<16xi32>
      %rem3A_49 = arith.constant 500000 : i32
      %rem3A_50 = vector.broadcast %rem3A_49 : i32 to vector<16xi32>
      %rem3A_51 = arith.remsi %get3A_48, %rem3A_50 : vector<16xi32>
      %swap3A_52 = arith.index_cast %add3A_38 : i32 to index
      %swap3A_53 = tpu.vector_load %arg12[%swap3A_52] {strides = array<i32>} : memref<512xi32, #tpu.memory_space<vmem>>, vector<16xi32>,
      %swap3A_54 = vector.shape_cast %swap3A_53 : vector<16xi32> to vector<16xi32>
      %swap3A_55 = vector.shape_cast %rem3A_51 : vector<16xi32> to vector<16xi32>
      tpu.vector_store %arg12[%swap3A_52], %swap3A_55 {strides = array<i32>} : memref<512xi32, #tpu.memory_space<vmem>>, vector<16xi32>,
    }
    %scan3A_12 = arith.constant 32 : i32
    %dma_start3A_13 = arith.constant 0 : i32
    %dma_start3A_14 = tpu.memref_slice %arg4[%dma_start3A_13] : memref<500000xf32, #tpu.memory_space<hbm>> -> memref<500000xf32, #tpu.memory_space<hbm>>
    tpu.enqueue_indirect_dma source(%dma_start3A_14 : memref<500000xf32, #tpu.memory_space<hbm>>) target(%arg13 : memref<512xf32, #tpu.memory_space<vmem>>) offsets(%arg11 : memref<512xi32, #tpu.memory_space<vmem>>) semaphore(%arg18 : memref<!tpu.dma_semaphore, #tpu.memory_space<semaphore_mem>>)
    %dma_start3A_15 = arith.constant 0 : i32
    %dma_start3A_16 = tpu.memref_slice %arg5[%dma_start3A_15] : memref<500000xf32, #tpu.memory_space<hbm>> -> memref<500000xf32, #tpu.memory_space<hbm>>
    tpu.enqueue_indirect_dma source(%dma_start3A_16 : memref<500000xf32, #tpu.memory_space<hbm>>) target(%arg14 : memref<512xf32, #tpu.memory_space<vmem>>) offsets(%arg11 : memref<512xi32, #tpu.memory_space<vmem>>) semaphore(%arg18 : memref<!tpu.dma_semaphore, #tpu.memory_space<semaphore_mem>>)
    %dma_start3A_17 = arith.constant 0 : i32
    %dma_start3A_18 = tpu.memref_slice %arg6[%dma_start3A_17] : memref<500000xf32, #tpu.memory_space<hbm>> -> memref<500000xf32, #tpu.memory_space<hbm>>
    tpu.enqueue_indirect_dma source(%dma_start3A_18 : memref<500000xf32, #tpu.memory_space<hbm>>) target(%arg15 : memref<512xf32, #tpu.memory_space<vmem>>) offsets(%arg12 : memref<512xi32, #tpu.memory_space<vmem>>) semaphore(%arg18 : memref<!tpu.dma_semaphore, #tpu.memory_space<semaphore_mem>>)
    %dma_start3A_19 = arith.constant 0 : i32
    %dma_start3A_20 = tpu.memref_slice %arg7[%dma_start3A_19] : memref<500000xf32, #tpu.memory_space<hbm>> -> memref<500000xf32, #tpu.memory_space<hbm>>
    tpu.enqueue_indirect_dma source(%dma_start3A_20 : memref<500000xf32, #tpu.memory_space<hbm>>) target(%arg16 : memref<512xf32, #tpu.memory_space<vmem>>) offsets(%arg12 : memref<512xi32, #tpu.memory_space<vmem>>) semaphore(%arg18 : memref<!tpu.dma_semaphore, #tpu.memory_space<semaphore_mem>>)
    %dma_wait3A_21 = arith.constant 0 : i32
    %dma_wait3A_22 = tpu.memref_slice %arg4[%dma_wait3A_21] : memref<500000xf32, #tpu.memory_space<hbm>> -> memref<500000xf32, #tpu.memory_space<hbm>>
    tpu.wait_indirect_dma semaphore(%arg18 : memref<!tpu.dma_semaphore, #tpu.memory_space<semaphore_mem>>) src(%dma_wait3A_22 : memref<500000xf32, #tpu.memory_space<hbm>>) dst(%arg13 : memref<512xf32, #tpu.memory_space<vmem>>)
    %dma_wait3A_23 = arith.constant 0 : i32
    %dma_wait3A_24 = tpu.memref_slice %arg5[%dma_wait3A_23] : memref<500000xf32, #tpu.memory_space<hbm>> -> memref<500000xf32, #tpu.memory_space<hbm>>
    tpu.wait_indirect_dma semaphore(%arg18 : memref<!tpu.dma_semaphore, #tpu.memory_space<semaphore_mem>>) src(%dma_wait3A_24 : memref<500000xf32, #tpu.memory_space<hbm>>) dst(%arg14 : memref<512xf32, #tpu.memory_space<vmem>>)
    %dma_wait3A_25 = arith.constant 0 : i32
    %dma_wait3A_26 = tpu.memref_slice %arg6[%dma_wait3A_25] : memref<500000xf32, #tpu.memory_space<hbm>> -> memref<500000xf32, #tpu.memory_space<hbm>>
    tpu.wait_indirect_dma semaphore(%arg18 : memref<!tpu.dma_semaphore, #tpu.memory_space<semaphore_mem>>) src(%dma_wait3A_26 : memref<500000xf32, #tpu.memory_space<hbm>>) dst(%arg15 : memref<512xf32, #tpu.memory_space<vmem>>)
    %dma_wait3A_27 = arith.constant 0 : i32
    %dma_wait3A_28 = tpu.memref_slice %arg7[%dma_wait3A_27] : memref<500000xf32, #tpu.memory_space<hbm>> -> memref<500000xf32, #tpu.memory_space<hbm>>
    tpu.wait_indirect_dma semaphore(%arg18 : memref<!tpu.dma_semaphore, #tpu.memory_space<semaphore_mem>>) src(%dma_wait3A_28 : memref<500000xf32, #tpu.memory_space<hbm>>) dst(%arg16 : memref<512xf32, #tpu.memory_space<vmem>>)
    %scan3A_29 = arith.constant 0 : i32
    %scan3A_30 = arith.constant 32 : i32
    %scan3A_31 = arith.addi %scan3A_29, %scan3A_30 : i32
    %scan3A_32 = arith.constant 1 : i32
    scf.for %scan3A_34 = %scan3A_29 to %scan3A_31 step %scan3A_32  : i32 {
      %mul3A_35 = arith.constant 16 : i32
      %mul3A_36 = arith.muli %scan3A_34, %mul3A_35 : i32
      %add3A_37 = arith.constant 0 : i32
      %add3A_38 = arith.addi %add3A_37, %mul3A_36 : i32
      %get3A = arith.index_cast %add3A_38 : i32 to index
      %get3A_39 = tpu.vector_load %arg9[%get3A] {strides = array<i32>} : memref<512xi32, #tpu.memory_space<vmem>>, vector<16xi32>,
      %get3A_40 = vector.shape_cast %get3A_39 : vector<16xi32> to vector<16xi32>
      %get3A_41 = arith.index_cast %add3A_38 : i32 to index
      %get3A_42 = tpu.vector_load %arg10[%get3A_41] {strides = array<i32>} : memref<512xi32, #tpu.memory_space<vmem>>, vector<16xi32>,
      %get3A_43 = vector.shape_cast %get3A_42 : vector<16xi32> to vector<16xi32>
      %lt3A = arith.constant 500000 : i32
      %lt3A_44 = vector.broadcast %lt3A : i32 to vector<16xi32>
      %lt3A_45 = arith.cmpi slt, %get3A_40, %lt3A_44 : vector<16xi32>
      %get3A_46 = arith.index_cast %add3A_38 : i32 to index
      %get3A_47 = tpu.vector_load %arg13[%get3A_46] {strides = array<i32>} : memref<512xf32, #tpu.memory_space<vmem>>, vector<16xf32>,
      %get3A_48 = vector.shape_cast %get3A_47 : vector<16xf32> to vector<16xf32>
      %get3A_49 = arith.index_cast %add3A_38 : i32 to index
      %get3A_50 = tpu.vector_load %arg14[%get3A_49] {strides = array<i32>} : memref<512xf32, #tpu.memory_space<vmem>>, vector<16xf32>,
      %get3A_51 = vector.shape_cast %get3A_50 : vector<16xf32> to vector<16xf32>
      %select_n3A = arith.select %lt3A_45, %get3A_48, %get3A_51 : vector<16xi1>, vector<16xf32>
      %lt3A_52 = arith.constant 500000 : i32
      %lt3A_53 = vector.broadcast %lt3A_52 : i32 to vector<16xi32>
      %lt3A_54 = arith.cmpi slt, %get3A_43, %lt3A_53 : vector<16xi32>
      %get3A_55 = arith.index_cast %add3A_38 : i32 to index
      %get3A_56 = tpu.vector_load %arg15[%get3A_55] {strides = array<i32>} : memref<512xf32, #tpu.memory_space<vmem>>, vector<16xf32>,
      %get3A_57 = vector.shape_cast %get3A_56 : vector<16xf32> to vector<16xf32>
      %get3A_58 = arith.index_cast %add3A_38 : i32 to index
      %get3A_59 = tpu.vector_load %arg16[%get3A_58] {strides = array<i32>} : memref<512xf32, #tpu.memory_space<vmem>>, vector<16xf32>,
      %get3A_60 = vector.shape_cast %get3A_59 : vector<16xf32> to vector<16xf32>
      %select_n3A_61 = arith.select %lt3A_54, %get3A_57, %get3A_60 : vector<16xi1>, vector<16xf32>
      %add3A_62 = arith.addf %select_n3A, %select_n3A_61 : vector<16xf32>
      %swap3A = arith.index_cast %add3A_38 : i32 to index
      %swap3A_63 = tpu.vector_load %arg17[%swap3A] {strides = array<i32>} : memref<512xf32, #tpu.memory_space<vmem>>, vector<16xf32>,
      %swap3A_64 = vector.shape_cast %swap3A_63 : vector<16xf32> to vector<16xf32>
      %swap3A_65 = vector.shape_cast %add3A_62 : vector<16xf32> to vector<16xf32>
      tpu.vector_store %arg17[%swap3A], %swap3A_65 {strides = array<i32>} : memref<512xf32, #tpu.memory_space<vmem>>, vector<16xf32>,
    }
    %scan3A_33 = arith.constant 32 : i32
    "tpu.region"() ({
      %run_scoped3A = tpu.sem_alloc : memref<!tpu.dma_semaphore, #tpu.memory_space<semaphore_mem>>
      %dma_start3A_34 = tpu.memref_slice %arg8[%mul3A_2] : memref<16384xf32, #tpu.memory_space<hbm>> -> memref<512xf32, #tpu.memory_space<hbm>>
      %dma_start3A_35 = tpu.memref_slice %arg8[%mul3A_2] : memref<16384xf32, #tpu.memory_space<hbm>> -> memref<512xf32, #tpu.memory_space<hbm>>
      tpu.enqueue_dma source(%arg17 : memref<512xf32, #tpu.memory_space<vmem>>) target(%dma_start3A_35 : memref<512xf32, #tpu.memory_space<hbm>>) target_semaphore(%run_scoped3A : memref<!tpu.dma_semaphore, #tpu.memory_space<semaphore_mem>>)
      %dma_wait3A_36 = tpu.memref_slice %arg8[%mul3A_2] : memref<16384xf32, #tpu.memory_space<hbm>> -> memref<512xf32, #tpu.memory_space<hbm>>
      %dma_wait3A_37 = tpu.memref_slice %arg8[%mul3A_2] : memref<16384xf32, #tpu.memory_space<hbm>> -> memref<512xf32, #tpu.memory_space<hbm>>
      tpu.wait_dma2 semaphore(%run_scoped3A : memref<!tpu.dma_semaphore, #tpu.memory_space<semaphore_mem>>) src(%arg17 : memref<512xf32, #tpu.memory_space<vmem>>) dst(%dma_wait3A_37 : memref<512xf32, #tpu.memory_space<hbm>>)
      tpu.yield
    }) : () -> ()
    return
  }
}

</mosaic_0001>

<sc_bundles>
// kernel: kernel.3.cloned.1.call-start
scs
__scs_entry_jumppad:
0x0: {  	(pc) =	sbr.rel $0x88, $3  }
0x1: {  	(tag) =	ssettag $0x0;
	lr =	simm.s32 $0x1  }
0x2: {  	[smem:$0x3F9D] =	sst lr;
	_ =	strace $0xD0000000  }
0x3: {  	_ = 	snop  }
0x4: {  	_ = 	snop  }
0x5: {  	_ = 	snop  }
0x6: {  	_ = 	snop  }
0x7: {  	_ = 	snop  }
__scs_overlays_trampoline_lowered:
0x8: {  	[smem:$0x3FAC] =	sst s0  }
0x9: {  	[smem:$0x3FAD] =	sst s1  }
0xa: {  	[smem:$0x3FAE] =	sst s2  }
0xb: {  	[smem:$0x3FAF] =	sst s3  }
0xc: {  	[smem:$0x3FB0] =	sst s4  }
0xd: {  	[smem:$0x3FB1] =	sst s5  }
0xe: {  	[smem:$0x3FB2] =	sst s6  }
0xf: {  	[smem:$0x3FB3] =	sst s7  }
0x10: {  	[smem:$0x3FB4] =	sst s8  }
0x11: {  	[smem:$0x3FB5] =	sst s9;
	s0 =	simm.s32 @!p0 $0x0  }
0x12: {  	s1 =	sld [smem:$0x3F9B];
	s0 =	simm.s32 @p0 $0x1  }
0x13: {  	[smem:$0x3FB6] =	sst s0;
	s0 =	simm.s32 @!p1 $0x0  }
0x14: {  	s2 =	sld [smem:$0x3F9A];
	s0 =	simm.s32 @p1 $0x1  }
0x15: {  	[smem:$0x3FB7] =	sst s0;
	s0 =	simm.s32 @!p2 $0x0  }
0x16: {  	s3 =	sld [smem:$0x3FDB];
	s0 =	simm.s32 @p2 $0x1  }
0x17: {  	s4 =	simm.s32 $0x1BF5;
	[smem:$0x3FB9] =	sst s0  }
0x18: {  	s0 =	sld [smem:$0x3F9C];
	_ =	swait.ge [sflag:s4], $0x0  }
0x19: {  	s7 =	sld [smem:$0x3F9D]  }
0x1a: {  	s8 =	sadd.s32 $0xFFFFE003, lr  }
0x1b: {  	s9 =	sadd.s32 $0xFFFFFEF7, lr;
	s5 =	simm.s32 $0xFFFFFFFF;
	p2 =	slt.u32 s8, $0xFFFFF086  }
0x1c: {  	p1 =	slt.u32 s9, $0xF7A;
	s5 =	simm.s32 @!p2 $0x0  }
0x1d: {  	s5 =	simm.s32 @p1 $0x1;
	p0 =	seq.s32 s7, s2  }
0x1e: {  	s7 =	smul.u32 @!p0 $0xF7A, s2;
	p2 =	seq.s32 @!p0 s5, $0x0  }
0x1f: {  	s9 =	smul.u32 $0xF7A, s1;
	s8 =	simm.s32 @!p0 $0x1BF5;
	p2 =	por !p2, p0  }
0x20: {  	[sflag:s8] =	ssyncset.s32 @!p0 $0xFFFFF086;
	s6 =	sadd.s32 @!p0 s3, s7;
	s7 =	simm.s32 @!p0 $0x108  }
0x21: {  	s3 =	sadd.s32 s3, s9;
	s6 =	sadd.s32 @!p0 $0x88, s6;
	s7 =	simm.s32 @p2 $0x1082  }
0x22: {  	[simem:s7], [sflag:s8] =	dma.local @!p0 [hbm:s6], $0xF7A  }
0x23: {  	s9 =	sor.u32 $0xD0000000, s2;
	s6 =	simm.s32 $0x108;
	_ =	swait.ge @!p0 [sflag:s8], $0x0  }
0x24: {  	s3 =	sadd.s32 $0x88, s3;
	s6 =	simm.s32 @!p1 $0x1082;
	[sflag:s4] =	ssyncset.s32 $0xFFFFF086  }
0x25: {  	[simem:s6], [sflag:s4] =	dma.local [hbm:s3], $0xF7A  }
0x26: {  	[smem:$0x3F9D] =	sst s1;
	(tag) =	ssettag s2;
	_ =	strace s9  }
0x27: {  	s1 =	sld [smem:$0x3FAD]  }
0x28: {  	s2 =	sld [smem:$0x3FAE]  }
0x29: {  	s4 =	sld [smem:$0x3FB0]  }
0x2a: {  	p0 =	seq.s32 s5, $0x0;
	s5 =	sld [smem:$0x3FB1]  }
0x2b: {  	s6 =	sld [smem:$0x3FB2]  }
0x2c: {  	s7 =	sld [smem:$0x3FB3]  }
0x2d: {  	s3 =	simm.s32 $0x108;
	s8 =	sld [smem:$0x3FB4]  }
0x2e: {  	s3 =	simm.s32 @!p0 $0x1082;
	s9 =	sld [smem:$0x3FB5]  }
0x2f: {  	lr =	sadd.s32 s0, s3;
	s0 =	sld [smem:$0x3FAC]  }
0x30: {  	s3 =	sld [smem:$0x3FAF]  }
0x31: {  	[smem:$0x3FB8] =	sst s10  }
0x32: {  	s10 =	sld [smem:$0x3FB6];
	_ =	sdelay $0x3  }
0x33: {  	p0 =	seq.s32 s10, $0x1;
	s10 =	sld [smem:$0x3FB8];
	_ =	sdelay $0x3  }
0x34: {  	[smem:$0x3FB8] =	sst s10  }
0x35: {  	s10 =	sld [smem:$0x3FB7];
	_ =	sdelay $0x3  }
0x36: {  	p1 =	seq.s32 s10, $0x1;
	s10 =	sld [smem:$0x3FB8];
	_ =	sdelay $0x3  }
0x37: {  	[smem:$0x3FB8] =	sst s10  }
0x38: {  	s10 =	sld [smem:$0x3FB9]  }
0x39: {  	_ = 	snop;
	(pc) =	sbr.ind lr, $3  }
0x3a: {  	_ = 	snop  }
0x3b: {  	_ = 	snop  }
0x3c: {  	p2 =	seq.s32 s10, $0x1;
	s10 =	sld [smem:$0x3FB8]  }
0x3d: {  	_ =	shalt  }
0x3e: {  	_ =	shalt  }
0x3f: {  	_ =	shalt  }
0x40: {  	_ =	shalt  }
0x41: {  	_ =	shalt  }
0x42: {  	_ =	shalt  }
0x43: {  	_ =	shalt  }
0x44: {  	_ =	shalt  }
0x45: {  	_ =	shalt  }
0x46: {  	_ =	shalt  }
0x47: {  	_ =	shalt  }
0x48: {  	_ =	shalt  }
0x49: {  	_ =	shalt  }
0x4a: {  	_ =	shalt  }
0x4b: {  	_ =	shalt  }
0x4c: {  	_ =	shalt  }
0x4d: {  	_ =	shalt  }
0x4e: {  	_ =	shalt  }
0x4f: {  	_ =	shalt  }
0x50: {  	_ =	shalt  }
0x51: {  	_ =	shalt  }
0x52: {  	_ =	shalt  }
0x53: {  	_ =	shalt  }
0x54: {  	_ =	shalt  }
0x55: {  	_ =	shalt  }
0x56: {  	_ =	shalt  }
0x57: {  	_ =	shalt  }
0x58: {  	_ =	shalt  }
0x59: {  	_ =	shalt  }
0x5a: {  	_ =	shalt  }
0x5b: {  	_ =	shalt  }
0x5c: {  	_ =	shalt  }
0x5d: {  	_ =	shalt  }
0x5e: {  	_ =	shalt  }
0x5f: {  	_ =	shalt  }
0x60: {  	_ =	shalt  }
0x61: {  	_ =	shalt  }
0x62: {  	_ =	shalt  }
0x63: {  	_ =	shalt  }
0x64: {  	_ =	shalt  }
0x65: {  	_ =	shalt  }
0x66: {  	_ =	shalt  }
0x67: {  	_ =	shalt  }
0x68: {  	_ =	shalt  }
0x69: {  	_ =	shalt  }
0x6a: {  	_ =	shalt  }
0x6b: {  	_ =	shalt  }
0x6c: {  	_ =	shalt  }
0x6d: {  	_ =	shalt  }
0x6e: {  	_ =	shalt  }
0x6f: {  	_ =	shalt  }
0x70: {  	_ =	shalt  }
0x71: {  	_ =	shalt  }
0x72: {  	_ =	shalt  }
0x73: {  	_ =	shalt  }
0x74: {  	_ =	shalt  }
0x75: {  	_ =	shalt  }
0x76: {  	_ =	shalt  }
0x77: {  	_ =	shalt  }
0x78: {  	_ =	shalt  }
0x79: {  	_ =	shalt  }
0x7a: {  	_ =	shalt  }
0x7b: {  	_ =	shalt  }
0x7c: {  	_ =	shalt  }
0x7d: {  	_ =	shalt  }
0x7e: {  	_ =	shalt  }
0x7f: {  	_ =	shalt  }
0x80: {  	_ =	shalt  }
0x81: {  	_ =	shalt  }
0x82: {  	_ =	shalt  }
0x83: {  	_ =	shalt  }
0x84: {  	_ =	shalt  }
0x85: {  	_ =	shalt  }
0x86: {  	_ =	shalt  }
0x87: {  	_ =	shalt  }
.Lfunc_end0:
.L_simem_size_0:
called_computation_lowered:
.L_overlay_start_0:
0x88: {  	s2 =	sld [smem:$0x3FD9]  }
0x89: {  	s3 =	sld [smem:$0x3FFE];
	_ =	sdelay $0x1  }
0x8a: {  	s1 =	srdreg.scid  }
0x8b: {  	s0 =	sand.u32 $0x1, s1  }
0x8c: {  	s17 =	sshll.u32 s0, $0xA;
	s2 =	sadd.s32 s3, s2  }
0x8d: {  	s2 =	sadd.s32 s2, s17  }
0x8e: {  	[smem:$0x3FC4] =	sst s2  }
0x8f: {  	_ = 	snop  }
0x90: {  	s2 =	sld [smem:$0x3FC9]  }
0x91: {  	s18 =	sld [smem:$0x3FC8]  }
0x92: {  	s4 =	sld [smem:$0x3FD0];
	(tm) =	ssettm $0x1  }
0x93: {  	s5 =	sld [smem:$0x3FFB];
	_ =	sdelay $0x3  }
0x94: {  	_ =	strace s5  }
0x95: {  	s5 =	sld [smem:$0x3FFC];
	_ =	sdelay $0x3  }
0x96: {  	_ =	strace s5  }
0x97: {  	s5 =	sld [smem:$0x3FFD];
	_ =	sdelay $0x3  }
0x98: {  	_ =	strace s5  }
0x99: {  	_ =	strace $0x8FFFFFFF  }
0x9a: {  	s19 =	sld [smem:$0x3FDB];
	_ =	sdelay $0x1  }
0x9b: {  	s6 =	simm.s32 $_scs_section_size  }
0x9c: {  	s7 =	simm.s32 $_size__tile_overlayer_lowered;
	s8 =	simm.s32 $_tile_overlayer_lowered  }
0x9d: {  	s22 =	simm.s32 $0x1BFF;
	s21 =	sshll.u32 s8, $0x1;
	s5 =	sadd.s32 s6, s19  }
0x9e: {  	s9 =	simm.s32 $0x0;
	s20 =	sshll.u32 s7, $0x1;
	s7 =	sadd.s32 s21, s5  }
0x9f: {  	[timem:s9], [sflag:s22] =	dma.local [hbm:s7], s20  }
0xa0: {  	_ =	swait.ge [sflag:s22], s20  }
0xa1: {  	s6 =	ssub.s32 $0x0, s20;
	[sflag:s22] =	ssyncset.done $0x0  }
0xa2: {  	[sflag:s22] =	ssyncadd.s32 s6;
	_ =	sdelay $0x1  }
0xa3: {  	s23 =	simm.s32 $0x1B8B  }
0xa4: {  	_ =	swait.ge [sflag:s23], $0x1  }
0xa5: {  	[sflag:s23] =	ssyncset.done $0x0  }
0xa6: {  	s25 =	simm.s32 $0x1B8E;
	s24 =	sld [smem:$0x3FFE];
	[sflag:s23] =	ssyncadd.s32 $0xFFFFFFFF  }
0xa7: {  	s26 =	simm.s32 $execute0_lowered;
	[smem:$0x3FD2] =	sst s25  }
0xa8: {  	s7 =	sshll.u32 s26, $0x1;
	_ =	strace $0x80000046;
	[dreg:$0x1] =	wrdreg $0xFFFFFFFF  }
0xa9: {  	s28 =	simm.s32 $_size_execute0_lowered;
	s5 =	sadd.s32 s5, s7;
	[dreg:$0x0] =	wrdreg $0x0  }
0xaa: {  	s7 =	sshll.u32 s28, $0x1;
	[dreg:$0x2] =	wrdreg s5  }
0xab: {  	[dreg:$0x3] =	wrdreg s7  }
0xac: {  	[dreg:$0x4] =	wrdreg $0xC0  }
0xad: {  	_ =	task [dreg:s9], $0x5FFFF  }
0xae: {  	[dreg:$0x1] =	wrdreg $0xFFFFFFFF  }
0xaf: {  	[dreg:$0x0] =	wrdreg $0x60  }
0xb0: {  	[dreg:$0x2] =	wrdreg s2  }
0xb1: {  	[dreg:$0x3] =	wrdreg s18  }
0xb2: {  	[dreg:$0x4] =	wrdreg s24  }
0xb3: {  	[dreg:$0x5] =	wrdreg s4  }
0xb4: {  	[dreg:$0x6] =	wrdreg $0x9  }
0xb5: {  	_ =	task.clear_ibuf [dreg:s9], $0x7FFFF;
	_ =	strace $0x90000046  }
0xb6: {  	s29 =	simm.s32 $0x9;
	_ =	strace $0x80000048  }
0xb7: {  	_ =	swait.ge [sflag:s29], $0x1  }
0xb8: {  	[sflag:s29] =	ssyncadd.s32 $0xFFFFFFFF  }
0xb9: {  	_ =	strace $0x90000048  }
0xba: {  	_ =	sfence  }
0xbb: {  	s30 =	sld [smem:$0x0];
	_ =	sdelay $0x2  }
0xbc: {  	s31 =	sshll.u32 s1, $0xD;
	s1 =	sshrl.u32 s1, $0x2  }
0xbd: {  	s3 =	sand.u32 $0x4000, s31;
	s1 =	sadd.s32 s1, s30  }
0xbe: {  	s0 =	sor.u32 s3, s0;
	s1 =	sshll.u32 s1, $0x11  }
0xbf: {  	s0 =	sor.u32 s1, s0  }
0xc0: {  	s0 =	sadd.s32 $0x8F2B, s0  }
0xc1: {  	[sflag:s0] =	ssyncadd.remote.s32 $0x1  }
0xc2: {  	_ =	sfence.sel $0xFFFF  }
0xc3: {  	[dreg:$0x0] =	wrdreg $0xFFFFFFFF;
	(pc) =	sbr.abs _section_cstart, $3  }
0xc4: {  	[dreg:$0x1] =	wrdreg $0xFFFFFFFF  }
0xc5: {  	_ =	task.clear_ibuf [dreg:s9], $0x2FFFF;
	_ =	strace $0x9FFFFFFF  }
0xc6: {  	(tm) =	ssettm $0x7FFFFFFF  }
0xc7: {  	_ =	shalt  }
tec
execute0_lowered:
.L_overlay_start_1:
0x0: {  	(tag) =	ssettag $0x1  }
0x1: {  	s0 =	rddreg [dreg:$0x0]  }
0x2: {  	s1 =	rddreg [dreg:$0x1]  }
0x3: {  	s7 =	rddreg [dreg:$0x2]  }
0x4: {  	s2 =	rddreg [dreg:$0x3]  }
0x5: {  	s8 =	simm.s32 $0x0;
	s3 =	srdreg.scid;
	s6 =	stileid.u32  }
0x6: {  	[smem:$0x7FF] =	sst s8;
	s4 =	sadd.s32 $0x1EC00, s7;
	s3 =	sand.u32 $0x1, s3  }
0x7: {  	s26 =	sadd.s32 $0x2E200, s7;
	s6 =	sshll.u32 s6, $0x7;
	_ =	strace $0x80000047  }
0x8: {  	v0 =	vimm.s32 $0xECA86420;
	vm0 =	vcmask $0xB08;
	vm1 =	vcmask $0x1310;
	[dreg:$0x1a] =	wrdreg s4;
	s28 =	ssub.s32 $0x2, s3;
	s3 =	sshll.u32 s3, $0x6  }
0x9: {  	vm2 =	vcmask $0x1B18;
	vm3 =	vcmask $0x300;
	vm4 =	vcmask $0x2320;
	s7 =	sadd.s32 $0xF600, s7;
	[dreg:$0x1b] =	wrdreg s26;
	s3 =	sor.u32 s3, s6  }
0xa: {  	vm5 =	vcmask $0x2B28;
	vm6 =	vcmask $0x3330;
	vm7 =	vcmask $0x3B38;
	[dreg:$0x1c] =	wrdreg s7;
	s0 =	sadd.s32 s0, s3  }
0xb: {  	v1 =	vlaneseq.u32;
	vm8 =	vmmov $0xff;
	vm9 =	vcmask $0x704;
	s5 =	sshrl.u32 s28, $0x1;
	s29 =	sadd.s32 s1, s3;
	[dreg:$0x1d] =	wrdreg s0  }
0xc: {  	vm10 =	vcmask $0xF0C;
	vm11 =	vcmask $0x1714;
	v0 =	vunpack.c.l.s4.s8 v0;
	s4 =	ssub.s32 s28, s5;
	s30 =	sadd.s32 s2, s3;
	[dreg:$0x1e] =	wrdreg s29  }
0xd: {  	vm12 =	vcmask $0x1F1C;
	vm13 =	vcmask $0x2724;
	vm14 =	vcmask $0x2F2C;
	s5 =	simm.s32 $0x1;
	[dreg:$0x1f] =	wrdreg s30;
	s31 =	smax.u32 s4, $0x1  }
0xe: {  	vm15 =	vcmask $0x3734;
	v1 =	vmul.u32 $0x2, v1;
	v0 =	vunpack.c.0.s8.s32 v0;
	s2 =	simm.s32 $0x0;
	s4 =	simm.s32 $0x200;
	[smem:$0x7FD] =	sst s31  }
.LBB2_1:
0xf: {  	[smem:$0x7FA] =	sst s2  }
0x10: {  	s0 =	rddreg [dreg:$0x1d]  }
0x11: {  	[tilespmem:s8], [sflag:$0x1] =	stream.linear.gather [hbm4b:s0+s8], $0x200, $0x38;
	[tilespmem:$0x1200] =	vst v63  }
0x12: {  	s21 =	rddreg [dreg:$0x1e]  }
0x13: {  	[tilespmem:s4], [sflag:$0x1] =	stream.linear.gather [hbm4b:s21+s8], $0x200, $0x38;
	[tilespmem:$0x1200] =	vst v63  }
0x14: {  	_ =	swait.ge [sflag:s5], $0x200  }
0x15: {  	[sflag:s5] =	ssyncset.done $0x0  }
0x16: {  	[sflag:s5] =	ssyncadd.s32 $0xFFFFFE00  }
0x17: {  	_ =	swait.ge [sflag:s5], $0x200  }
0x18: {  	[sflag:s5] =	ssyncset.done $0x0  }
0x19: {  	s22 =	simm.s32 $0x0;
	[sflag:s5] =	ssyncadd.s32 $0xFFFFFE00  }
0x1a: {  	v3 =	vld [tilespmem:s22+$0x200];
	_ =	sdelay $0x4  }
0x1b: {  	(v2sf) =	vpush v3, $0xF  }
0x1c: {  	(v2sf) =	vpush v3, $0xB;
	_ =	sdelay $0x1  }
0x1d: {  	(v2sf) =	vpush v3, $0x6  }
0x1e: {  	(v2sf) =	vpush v3, $0xE  }
0x1f: {  	(v2sf) =	vpush v3, $0xA;
	_ =	sdelay $0x2  }
0x20: {  	(v2sf) =	vpush v3, $0xD;
	_ =	sdelay $0x1  }
0x21: {  	(v2sf) =	vpush v3, $0x9;
	_ =	sdelay $0x1  }
0x22: {  	(v2sf) =	vpush v3, $0x5;
	_ =	sdelay $0x1  }
0x23: {  	(v2sf) =	vpush v3, $0xC  }
0x24: {  	s1 =	spop (v2sf)  }
0x25: {  	(v2sf) =	vpush v3, $0x8;
	s2 =	smulhi.u32 $0x431BDE83, s1;
	s3 =	spop (v2sf)  }
0x26: {  	s1 =	sshra.s32 s1, $0x1F;
	s5 =	smulhi.u32 $0x431BDE83, s3  }
0x27: {  	(v2sf) =	vpush v3, $0x4;
	s9 =	spop (v2sf);
	s1 =	smul.u32 $0x431BDE83, s1  }
0x28: {  	s24 =	smulhi.u32 $0x431BDE83, s9;
	s6 =	spop (v2sf)  }
0x29: {  	(v2sf) =	vpush v3, $0x3;
	s10 =	smulhi.u32 $0x431BDE83, s6;
	s11 =	spop (v2sf)  }
0x2a: {  	s3 =	sshra.s32 s3, $0x1F;
	s12 =	smulhi.u32 $0x431BDE83, s11  }
0x2b: {  	s25 =	sshra.s32 s6, $0x1F;
	[smem:$0x7FC] =	sst s24;
	s24 =	smul.u32 $0x431BDE83, s3  }
0x2c: {  	s13 =	spop (v2sf);
	s6 =	smul.u32 $0x431BDE83, s25  }
0x2d: {  	s26 =	sshra.s32 s11, $0x1F;
	s14 =	smulhi.u32 $0x431BDE83, s13  }
0x2e: {  	(v2sf) =	vpush v3, $0x2;
	s15 =	spop (v2sf);
	s0 =	sshra.s32 s13, $0x1F;
	s13 =	smul.u32 $0x431BDE83, s26  }
0x2f: {  	s23 =	simm.s32 $0x0;
	s16 =	smulhi.u32 $0x431BDE83, s15  }
0x30: {  	v2 =	vld [tilespmem:s23+$0x0];
	(v2sf) =	vpush v3, $0x1;
	s17 =	spop (v2sf);
	s11 =	smul.u32 $0x431BDE83, s0  }
0x31: {  	(v2sf) =	vpush v3, $0x0;
	s15 =	sshra.s32 s15, $0x1F;
	s18 =	smulhi.u32 $0x431BDE83, s17  }
0x32: {  	s3 =	sadd.s32 s1, s2;
	s19 =	spop (v2sf);
	s1 =	smul.u32 $0x431BDE83, s15  }
0x33: {  	(v2sf) =	vpush v3, $0x7;
	s10 =	sadd.s32 s6, s10;
	s0 =	sshra.s32 s17, $0x1F;
	s20 =	smulhi.u32 $0x431BDE83, s19  }
0x34: {  	s15 =	sadd.s32 s24, s5;
	s21 =	spop (v2sf);
	s2 =	smul.u32 $0x431BDE83, s0  }
0x35: {  	(v2sf) =	vpush v2, $0x7;
	[smem:$0x7FB] =	sst s15;
	s19 =	sshra.s32 s19, $0x1F;
	s22 =	smulhi.u32 $0x431BDE83, s21  }
0x36: {  	(v2sf) =	vpush v2, $0x0;
	s6 =	sadd.s32 s13, s12;
	s23 =	spop (v2sf);
	s5 =	smul.u32 $0x431BDE83, s19  }
0x37: {  	(v2sf) =	vpush v2, $0x1;
	s11 =	sadd.s32 s11, s14;
	s21 =	sshra.s32 s21, $0x1F;
	s8 =	smulhi.u32 $0x431BDE83, s23  }
0x38: {  	s19 =	sshra.s32 s9, $0x1F;
	s7 =	spop (v2sf);
	s15 =	smul.u32 $0x431BDE83, s21  }
0x39: {  	s16 =	sadd.s32 s1, s16;
	s29 =	sshra.s32 s11, $0x11;
	s4 =	smulhi.u32 $0x431BDE83, s7  }
0x3a: {  	(v2sf) =	vpush v2, $0x2;
	s0 =	sshra.s32 s23, $0x1F;
	s20 =	sadd.s32 s5, s20;
	s5 =	smul.u32 $0x431BDE83, s19  }
0x3b: {  	s2 =	sadd.s32 s2, s18;
	s1 =	smul.u32 $0x431BDE83, s0;
	s7 =	sshra.s32 s7, $0x1F  }
0x3c: {  	(v2sf) =	vpush v2, $0x3;
	s30 =	sshrl.u32 s16, $0x1F;
	s31 =	sshra.s32 s16, $0x11;
	s7 =	smul.u32 $0x431BDE83, s7  }
0x3d: {  	(v2sf) =	vpush v2, $0x4;
	s22 =	sadd.s32 s15, s22;
	s19 =	sadd.s32 s1, s8;
	s25 =	spop (v2sf)  }
0x3e: {  	(v2sf) =	vpush v2, $0xC;
	s4 =	sadd.s32 s7, s4;
	s26 =	smulhi.u32 $0x431BDE83, s25;
	s25 =	sshra.s32 s25, $0x1F  }
0x3f: {  	s7 =	sshra.s32 s10, $0x11;
	s28 =	spop (v2sf);
	s21 =	smul.u32 $0x431BDE83, s25  }
0x40: {  	(v2sf) =	vpush v2, $0x8;
	s25 =	sshrl.u32 s22, $0x1F;
	s24 =	smulhi.u32 $0x431BDE83, s28;
	s14 =	spop (v2sf)  }
0x41: {  	(v2sf) =	vpush v2, $0xD;
	s22 =	sshra.s32 s22, $0x11;
	s0 =	sshra.s32 s28, $0x1F;
	s17 =	smulhi.u32 $0x431BDE83, s14  }
0x42: {  	s28 =	sshrl.u32 s11, $0x1F;
	s13 =	spop (v2sf);
	s1 =	smul.u32 $0x431BDE83, s0  }
0x43: {  	v9 =	vmov s22;
	s22 =	sshrl.u32 s3, $0x1F;
	s14 =	sshra.s32 s14, $0x1F;
	s9 =	smulhi.u32 $0x431BDE83, s13  }
0x44: {  	(v2sf) =	vpush v2, $0x9;
	s18 =	spop (v2sf);
	s23 =	smul.u32 $0x431BDE83, s14;
	s13 =	sshra.s32 s13, $0x1F  }
0x45: {  	(v2sf) =	vpush v2, $0x5;
	s21 =	sadd.s32 s21, s26;
	s15 =	spop (v2sf);
	s13 =	smul.u32 $0x431BDE83, s13  }
0x46: {  	(v2sf) =	vpush v2, $0xE;
	s8 =	sadd.s32 s1, s24;
	s1 =	sshrl.u32 s10, $0x1F;
	s14 =	spop (v2sf)  }
0x47: {  	(v2sf) =	vpush v2, $0xA;
	s12 =	sadd.s32 s23, s17;
	s23 =	sshrl.u32 s20, $0x1F;
	s20 =	sshra.s32 s20, $0x11  }
0x48: {  	v6 =	vmov s25;
	(v2sf) =	vpush v2, $0xF;
	s0 =	sshra.s32 s8, $0x11;
	s10 =	sshra.s32 s8, $0x1F;
	s13 =	sadd.s32 s13, s9  }
0x49: {  	v6 =	vsel vm0, s30, v6;
	s8 =	sshrl.u32 s8, $0x1F;
	s17 =	spop (v2sf);
	(v2sf) =	vpush v2, $0xB;
	s16 =	sshra.s32 s13, $0x1F  }
0x4a: {  	s24 =	sshra.s32 s12, $0x11;
	s26 =	sshra.s32 s12, $0x1F;
	s9 =	sshrl.u32 s12, $0x1F;
	v5 =	vmov s23;
	v7 =	vmov s20;
	v4 =	vmov s16  }
0x4b: {  	s20 =	sshra.s32 s21, $0x1F;
	s12 =	spop (v2sf);
	v5 =	vsel vm0, s28, v5;
	s28 =	sshra.s32 s4, $0x11;
	v7 =	vsel vm0, s29, v7;
	v4 =	vsel vm3, s24, v4  }
0x4c: {  	v8 =	vmov s9;
	s29 =	sshrl.u32 s4, $0x1F;
	s11 =	spop (v2sf);
	v7 =	vsel vm1, s7, v7;
	s7 =	sshra.s32 s18, $0x1F;
	v4 =	vsel vm9, s26, v4  }
0x4d: {  	v5 =	vsel vm1, s1, v5;
	v8 =	vnsel vm3, $0x0, v8;
	s16 =	spop (v2sf);
	s24 =	sshrl.u32 s6, $0x1F;
	s6 =	sshra.s32 s6, $0x11;
	v4 =	vsel vm0, s0, v4  }
0x4e: {  	v8 =	vsel vm0, s8, v8;
	s8 =	smul.u32 $0x431BDE83, s7;
	v5 =	vsel vm2, s22, v5;
	s22 =	sshra.s32 s15, $0x1F;
	s26 =	sshra.s32 s21, $0x11;
	v4 =	vsel vm10, s10, v4  }
0x4f: {  	v9 =	vsel vm0, s31, v9;
	s15 =	smulhi.u32 $0x431BDE83, s15;
	s23 =	spop (v2sf);
	v6 =	vsel vm1, s24, v6;
	s24 =	sshra.s32 s19, $0x11;
	v4 =	vsel vm1, s26, v4  }
0x50: {  	(v2sf) =	vpush v2, $0x6;
	v9 =	vsel vm1, s6, v9;
	s6 =	sshrl.u32 s19, $0x1F;
	s25 =	spop (v2sf);
	s10 =	sshra.s32 s3, $0x11;
	v4 =	vsel vm11, s20, v4  }
0x51: {  	s26 =	sshra.s32 s4, $0x1F;
	v7 =	vsel vm2, s10, v7;
	s10 =	smul.u32 $0x431BDE83, s22;
	s20 =	sld [smem:$0x7FB];
	v4 =	vsel vm2, s28, v4  }
0x52: {  	s0 =	sshrl.u32 s21, $0x1F;
	s28 =	sshra.s32 s19, $0x1F;
	s19 =	sshra.s32 s14, $0x1F;
	v4 =	vsel vm12, s26, v4  }
0x53: {  	s14 =	smulhi.u32 $0x431BDE83, s14;
	s10 =	sadd.s32 s10, s15;
	v4 =	vsel vm4, s24, v4;
	s24 =	sld [smem:$0x7FC]  }
0x54: {  	s15 =	sshra.s32 s25, $0x1F;
	s25 =	smulhi.u32 $0x431BDE83, s25;
	s1 =	sshrl.u32 s20, $0x1F  }
0x55: {  	v8 =	vsel vm1, s0, v8;
	s20 =	sshra.s32 s20, $0x11;
	v6 =	vsel vm2, s1, v6;
	s1 =	smulhi.u32 $0x431BDE83, s18;
	s18 =	sshra.s32 s2, $0x11;
	v4 =	vsel vm13, s28, v4  }
0x56: {  	v8 =	vsel vm2, s29, v8;
	s9 =	spop (v2sf);
	s26 =	sshra.s32 s2, $0x1F;
	v9 =	vsel vm2, s20, v9;
	v4 =	vsel vm5, s18, v4;
	s0 =	sadd.s32 s5, s24  }
0x57: {  	s21 =	spop (v2sf);
	s2 =	sshrl.u32 s2, $0x1F;
	v5 =	vcombine.low v6, v5;
	v6 =	vsel vm4, s6, v8;
	v4 =	vsel vm14, s26, v4;
	s20 =	sshra.s32 s0, $0x11  }
0x58: {  	s4 =	spop (v2sf);
	v7 =	vcombine.low v9, v7;
	v6 =	vsel vm5, s2, v6;
	s22 =	sshrl.u32 s0, $0x1F;
	s0 =	sshra.s32 s0, $0x1F;
	v4 =	vsel vm6, s20, v4  }
0x59: {  	s18 =	smul.u32 $0x431BDE83, s19;
	s19 =	sshra.s32 s13, $0x11;
	s26 =	sshrl.u32 s13, $0x1F;
	v5 =	vperm.xlane v5, v0;
	v6 =	vsel vm6, s22, v6;
	v4 =	vsel vm15, s0, v4  }
0x5a: {  	s3 =	spop (v2sf);
	s24 =	sshra.s32 s17, $0x1F;
	s13 =	smulhi.u32 $0x431BDE83, s17;
	v7 =	vperm.xlane v7, v0;
	v6 =	vsel vm7, s26, v6;
	v4 =	vsel vm7, s19, v4  }
0x5b: {  	s7 =	spop (v2sf);
	s1 =	sadd.s32 s8, s1;
	s2 =	smul.u32 $0x431BDE83, s24;
	v6 =	vperm.xlane v6, v1;
	v4 =	vperm.xlane v4, v1  }
0x5c: {  	s5 =	spop (v2sf);
	s20 =	sshra.s32 s12, $0x1F;
	s12 =	smulhi.u32 $0x431BDE83, s12  }
0x5d: {  	s24 =	sshra.s32 s16, $0x1F;
	s22 =	sshra.s32 s11, $0x1F;
	s11 =	smulhi.u32 $0x431BDE83, s11;
	v5 =	vsel vm8, v6, v5;
	v4 =	vsel vm8, v4, v7  }
0x5e: {  	s14 =	sadd.s32 s18, s14;
	s18 =	sshra.s32 s10, $0x1F;
	s6 =	smul.u32 $0x431BDE83, s20;
	v4 =	vadd.s32 v5, v4  }
0x5f: {  	s0 =	spop (v2sf);
	s26 =	sshra.s32 s23, $0x1F;
	s17 =	smul.u32 $0x431BDE83, s22;
	v4 =	vmul.u32 $0x7A120, v4  }
0x60: {  	s20 =	sshra.s32 s1, $0x1F;
	s2 =	sadd.s32 s2, s13;
	s13 =	smulhi.u32 $0x431BDE83, s16  }
0x61: {  	s22 =	sshra.s32 s10, $0x11;
	s16 =	simm.s32 $0x0;
	s19 =	smul.u32 $0x431BDE83, s24;
	v3 =	vsub.s32 v3, v4  }
0x62: {  	s8 =	smul.u32 $0x431BDE83, s26;
	s24 =	sshrl.u32 s10, $0x1F;
	s26 =	simm.s32 $0x10;
	[tilespmem:s16+$0x600] =	vst v3  }
0x63: {  	s12 =	sadd.s32 s6, s12;
	s6 =	smulhi.u32 $0x431BDE83, s23;
	s23 =	sshra.s32 s9, $0x1F;
	v3 =	vld [tilespmem:s26+$0x200]  }
0x64: {  	s10 =	sadd.s32 s17, s11;
	s11 =	smul.u32 $0x431BDE83, s15;
	s15 =	sshra.s32 s14, $0x11  }
0x65: {  	s13 =	sadd.s32 s19, s13;
	s19 =	sshra.s32 s14, $0x1F;
	s14 =	sshrl.u32 s14, $0x1F  }
0x66: {  	s8 =	sadd.s32 s8, s6;
	s11 =	sadd.s32 s11, s25;
	s25 =	smulhi.u32 $0x431BDE83, s9  }
0x67: {  	s9 =	sshra.s32 s12, $0x11;
	v4 =	vmov s20;
	s20 =	sshra.s32 s2, $0x1F;
	s16 =	smul.u32 $0x431BDE83, s23  }
0x68: {  	s23 =	sshra.s32 s21, $0x1F;
	v4 =	vsel vm3, s22, v4;
	s21 =	smulhi.u32 $0x431BDE83, s21;
	s22 =	sshra.s32 s12, $0x1F;
	(v2sf) =	vpush v3, $0xF  }
0x69: {  	s12 =	sshrl.u32 s12, $0x1F;
	s17 =	smul.u32 $0x431BDE83, s23;
	s23 =	sshra.s32 s2, $0x11;
	(v2sf) =	vpush v3, $0xB  }
0x6a: {  	v4 =	vsel vm9, s18, v4;
	s18 =	sshra.s32 s4, $0x1F;
	s2 =	sshrl.u32 s2, $0x1F;
	s4 =	smulhi.u32 $0x431BDE83, s4;
	(v2sf) =	vpush v3, $0x6  }
0x6b: {  	s16 =	sadd.s32 s16, s25;
	s25 =	sshra.s32 s3, $0x1F;
	s18 =	smul.u32 $0x431BDE83, s18;
	(v2sf) =	vpush v3, $0xE  }
0x6c: {  	v4 =	vsel vm0, s15, v4;
	s15 =	sshra.s32 s10, $0x11;
	s3 =	smulhi.u32 $0x431BDE83, s3;
	s6 =	sadd.s32 s17, s21  }
0x6d: {  	v4 =	vsel vm10, s19, v4;
	s17 =	sshra.s32 s7, $0x1F;
	s19 =	sshrl.u32 s13, $0x1F;
	s7 =	smulhi.u32 $0x431BDE83, s7;
	(v2sf) =	vpush v3, $0xA  }
0x6e: {  	s13 =	sshra.s32 s13, $0x11;
	s21 =	sshra.s32 s5, $0x1F;
	s5 =	smulhi.u32 $0x431BDE83, s5;
	(v2sf) =	vpush v3, $0xD  }
0x6f: {  	v5 =	vmov s24;
	s24 =	sshrl.u32 s16, $0x1F;
	v4 =	vsel vm1, s23, v4;
	s23 =	sshra.s32 s0, $0x1F;
	s0 =	smulhi.u32 $0x431BDE83, s0;
	(v2sf) =	vpush v3, $0x9  }
0x70: {  	v5 =	vnsel vm3, $0x0, v5;
	s4 =	sadd.s32 s18, s4;
	s18 =	simm.s32 $0x10;
	v4 =	vsel vm11, s20, v4;
	s20 =	smul.u32 $0x431BDE83, s25;
	(v2sf) =	vpush v3, $0x5  }
0x71: {  	v5 =	vsel vm0, s14, v5;
	s25 =	sshrl.u32 s8, $0x1F;
	s8 =	sshra.s32 s8, $0x11;
	[dreg:$0x5] =	wrdreg s18;
	(v2sf) =	vpush v3, $0xC  }
0x72: {  	v5 =	vsel vm1, s2, v5;
	v7 =	vmov s19;
	s19 =	sshrl.u32 s4, $0x1F;
	s4 =	sshra.s32 s4, $0x11;
	v8 =	vmov s25;
	s25 =	smul.u32 $0x431BDE83, s17  }
0x73: {  	v5 =	vsel vm2, s12, v5;
	v4 =	vsel vm2, s9, v4;
	s9 =	sshra.s32 s10, $0x1F;
	s10 =	sshrl.u32 s10, $0x1F;
	s17 =	smul.u32 $0x431BDE83, s21;
	(v2sf) =	vpush v3, $0x8  }
0x74: {  	v9 =	vmov s13;
	s21 =	smul.u32 $0x431BDE83, s23;
	s23 =	sshra.s32 s6, $0x1F;
	v4 =	vsel vm12, s22, v4;
	s22 =	sshrl.u32 s11, $0x1F;
	(v2sf) =	vpush v3, $0x4  }
0x75: {  	v10 =	vmov s8;
	s11 =	sshra.s32 s11, $0x11;
	s3 =	sadd.s32 s20, s3;
	v6 =	vsel vm4, s15, v4;
	s15 =	sshra.s32 s16, $0x11;
	v4 =	vld [tilespmem:s26+$0x0];
	(v2sf) =	vpush v3, $0x3  }
0x76: {  	v8 =	vsel vm0, s24, v8;
	s16 =	sshra.s32 s6, $0x11;
	s20 =	sshrl.u32 s3, $0x1F;
	v7 =	vsel vm0, s22, v7;
	s22 =	sshra.s32 s3, $0x11;
	(v2sf) =	vpush v3, $0x2  }
0x77: {  	v5 =	vsel vm4, s10, v5;
	v9 =	vsel vm0, s11, v9;
	s6 =	sshrl.u32 s6, $0x1F;
	s24 =	sadd.s32 s25, s7;
	(v2sf) =	vpush v3, $0x1;
	s3 =	spop (v2sf)  }
0x78: {  	s26 =	sadd.s32 s17, s5;
	v6 =	vsel vm13, s9, v6;
	v8 =	vsel vm1, s20, v8;
	(v2sf) =	vpush v3, $0x0;
	s20 =	smulhi.u32 $0x431BDE83, s3;
	s5 =	spop (v2sf)  }
0x79: {  	s0 =	sadd.s32 s21, s0;
	v10 =	vsel vm0, s15, v10;
	v7 =	vsel vm1, s19, v7;
	(v2sf) =	vpush v3, $0x7;
	s21 =	smulhi.u32 $0x431BDE83, s5;
	s7 =	spop (v2sf)  }
0x7a: {  	v9 =	vsel vm1, s4, v9;
	s10 =	sshrl.u32 s26, $0x1F;
	v11 =	vsel vm5, s6, v5;
	(v2sf) =	vpush v4, $0x7;
	s11 =	smulhi.u32 $0x431BDE83, s7;
	s14 =	spop (v2sf)  }
0x7b: {  	s18 =	sshrl.u32 s1, $0x1F;
	s25 =	sshrl.u32 s24, $0x1F;
	v6 =	vsel vm5, s16, v6;
	v8 =	vsel vm2, s10, v8;
	(v2sf) =	vpush v4, $0x0;
	s10 =	smulhi.u32 $0x431BDE83, s14  }
0x7c: {  	s12 =	sshra.s32 s24, $0x11;
	v10 =	vsel vm1, s22, v10;
	v7 =	vsel vm2, s25, v7;
	(v2sf) =	vpush v4, $0x1;
	s15 =	spop (v2sf);
	[dreg:$0x7] =	wrdreg s11  }
0x7d: {  	s13 =	sshra.s32 s26, $0x11;
	v6 =	vsel vm14, s23, v6;
	v5 =	vcombine.low v8, v7;
	(v2sf) =	vpush v4, $0x2;
	s25 =	smulhi.u32 $0x431BDE83, s15;
	s19 =	spop (v2sf)  }
0x7e: {  	s16 =	sshra.s32 s0, $0x11;
	v7 =	vsel vm2, s12, v9;
	v8 =	vsel vm2, s13, v10;
	(v2sf) =	vpush v4, $0x3;
	s31 =	smulhi.u32 $0x431BDE83, s19;
	s26 =	spop (v2sf)  }
0x7f: {  	s17 =	sshrl.u32 s0, $0x1F;
	v7 =	vcombine.low v8, v7;
	v6 =	vsel vm6, s16, v6;
	(v2sf) =	vpush v4, $0x4;
	s22 =	smulhi.u32 $0x431BDE83, s26;
	s28 =	spop (v2sf)  }
0x80: {  	s0 =	sshra.s32 s0, $0x1F;
	v8 =	vsel vm6, s17, v11;
	v5 =	vperm.xlane v5, v0;
	(v2sf) =	vpush v4, $0xC;
	s24 =	smulhi.u32 $0x431BDE83, s28;
	s29 =	spop (v2sf)  }
0x81: {  	s23 =	sshra.s32 s1, $0x11;
	v8 =	vsel vm7, s18, v8;
	v9 =	vsel vm15, s0, v6;
	(v2sf) =	vpush v4, $0x8;
	[dreg:$0x8] =	wrdreg s22;
	s9 =	smulhi.u32 $0x431BDE83, s29  }
0x82: {  	s4 =	simm.s32 $0x0;
	v6 =	vperm.xlane v8, v1;
	v8 =	vsel vm7, s23, v9;
	(v2sf) =	vpush v4, $0xD;
	s30 =	spop (v2sf);
	[dreg:$0xb] =	wrdreg s24  }
0x83: {  	s0 =	simm.s32 $0x80;
	v7 =	vperm.xlane v7, v0;
	v8 =	vperm.xlane v8, v1;
	s1 =	smulhi.u32 $0x431BDE83, s30;
	(v2sf) =	vpush v4, $0x9;
	s23 =	spop (v2sf)  }
.LBB2_2:
0x84: {  	[dreg:$0x6] =	wrdreg s0  }
0x85: {  	[dreg:$0x19] =	wrdreg s10  }
0x86: {  	s2 =	smulhi.u32 $0x431BDE83, s23;
	[dreg:$0x18] =	wrdreg s1  }
0x87: {  	s17 =	spop (v2sf);
	[dreg:$0x17] =	wrdreg s21  }
0x88: {  	s5 =	sshra.s32 s5, $0x1F;
	[dreg:$0x14] =	wrdreg s31;
	s6 =	smulhi.u32 $0x431BDE83, s17  }
0x89: {  	s7 =	sshra.s32 s7, $0x1F;
	s31 =	spop (v2sf);
	s18 =	smul.u32 $0x431BDE83, s5  }
0x8a: {  	s22 =	smul.u32 $0x431BDE83, s7;
	[dreg:$0x11] =	wrdreg s2  }
0x8b: {  	(v2sf) =	vpush v4, $0x5;
	s8 =	smulhi.u32 $0x431BDE83, s31;
	s16 =	spop (v2sf)  }
0x8c: {  	v5 =	vsel vm8, v6, v5;
	(v2sf) =	vpush v4, $0xE;
	v6 =	vsel vm8, v8, v7;
	s10 =	smulhi.u32 $0x431BDE83, s16;
	s21 =	spop (v2sf)  }
0x8d: {  	s17 =	sshra.s32 s17, $0x1F;
	(v2sf) =	vpush v4, $0xA;
	v5 =	vadd.s32 v5, v6;
	[dreg:$0x10] =	wrdreg s6;
	s11 =	smulhi.u32 $0x431BDE83, s21  }
0x8e: {  	s1 =	smov.u32 s9;
	s9 =	smul.u32 $0x431BDE83, s17;
	(v2sf) =	vpush v4, $0xF;
	v5 =	vmul.u32 $0x7A120, v5;
	[dreg:$0x13] =	wrdreg s10  }
0x8f: {  	s3 =	sshra.s32 s3, $0x1F;
	(v2sf) =	vpush v4, $0xB;
	[dreg:$0x15] =	wrdreg s11;
	s11 =	spop (v2sf)  }
0x90: {  	s14 =	sshra.s32 s14, $0x1F;
	v5 =	vsub.s32 v2, v5;
	s10 =	smul.u32 $0x431BDE83, s3;
	s13 =	spop (v2sf)  }
0x91: {  	(v2sf) =	vpush v4, $0x6;
	[tilespmem:s4+$0x400] =	vst v5;
	s4 =	smul.u32 $0x431BDE83, s14;
	s3 =	spop (v2sf)  }
0x92: {  	s12 =	smulhi.u32 $0x431BDE83, s11;
	s5 =	spop (v2sf)  }
0x93: {  	p0 =	sne.s32 s0, $0x7C0;
	[dreg:$0xe] =	wrdreg s13;
	s7 =	spop (v2sf)  }
0x94: {  	s24 =	sshra.s32 s15, $0x1F;
	[dreg:$0x16] =	wrdreg s12;
	s14 =	spop (v2sf)  }
0x95: {  	s19 =	sshra.s32 s19, $0x1F;
	s12 =	smul.u32 $0x431BDE83, s24;
	s15 =	spop (v2sf)  }
0x96: {  	s26 =	sshra.s32 s26, $0x1F;
	s24 =	smul.u32 $0x431BDE83, s19;
	s19 =	spop (v2sf)  }
0x97: {  	s0 =	sshra.s32 s28, $0x1F;
	s13 =	smul.u32 $0x431BDE83, s26;
	s26 =	spop (v2sf)  }
0x98: {  	s29 =	sshra.s32 s29, $0x1F;
	[dreg:$0xf] =	wrdreg s22;
	s28 =	spop (v2sf)  }
0x99: {  	s6 =	smul.u32 $0x431BDE83, s29;
	s29 =	spop (v2sf)  }
0x9a: {  	[dreg:$0x12] =	wrdreg s8;
	s8 =	sshra.s32 s23, $0x1F;
	s23 =	spop (v2sf)  }
0x9b: {  	s2 =	sshra.s32 s30, $0x1F;
	s22 =	smul.u32 $0x431BDE83, s0;
	s30 =	spop (v2sf)  }
0x9c: {  	s0 =	smul.u32 $0x431BDE83, s2;
	s2 =	spop (v2sf)  }
0x9d: {  	[dreg:$0xd] =	wrdreg s2;
	s17 =	spop (v2sf)  }
0x9e: {  	[dreg:$0xc] =	wrdreg s17;
	s17 =	sshra.s32 s21, $0x1F;
	s21 =	spop (v2sf)  }
0x9f: {  	[dreg:$0xa] =	wrdreg s21  }
0xa0: {  	s21 =	smul.u32 $0x431BDE83, s17;
	s17 =	spop (v2sf)  }
0xa1: {  	s31 =	sshra.s32 s31, $0x1F;
	[dreg:$0x9] =	wrdreg s17  }
0xa2: {  	s8 =	smul.u32 $0x431BDE83, s8;
	s17 =	sadd.s32 s10, s20;
	s20 =	rddreg [dreg:$0x17]  }
0xa3: {  	s11 =	sshra.s32 s11, $0x1F;
	s10 =	sadd.s32 s6, s1;
	s6 =	rddreg [dreg:$0x11]  }
0xa4: {  	s2 =	smul.u32 $0x431BDE83, s31;
	s31 =	sadd.s32 s18, s20;
	s20 =	rddreg [dreg:$0x14]  }
0xa5: {  	s18 =	smul.u32 $0x431BDE83, s11;
	s11 =	rddreg [dreg:$0x19]  }
0xa6: {  	s6 =	sadd.s32 s8, s6;
	s8 =	rddreg [dreg:$0x16];
	s20 =	sadd.s32 s24, s20  }
0xa7: {  	s24 =	sadd.s32 s4, s11;
	s11 =	sadd.s32 s12, s25;
	s12 =	rddreg [dreg:$0x8]  }
0xa8: {  	s16 =	sshra.s32 s16, $0x1F;
	s12 =	sadd.s32 s13, s12;
	s13 =	rddreg [dreg:$0xb]  }
0xa9: {  	s16 =	smul.u32 $0x431BDE83, s16;
	s25 =	rddreg [dreg:$0x18];
	s4 =	sadd.s32 s22, s13  }
0xaa: {  	s13 =	sadd.s32 s0, s25;
	s0 =	sadd.s32 s18, s8;
	s18 =	rddreg [dreg:$0x15]  }
0xab: {  	s22 =	rddreg [dreg:$0x13];
	s8 =	sadd.s32 s21, s18  }
0xac: {  	s21 =	rddreg [dreg:$0x12];
	s18 =	sshrl.u32 s10, $0x1F;
	s16 =	sadd.s32 s16, s22  }
0xad: {  	s22 =	sshrl.u32 s13, $0x1F;
	s10 =	sshra.s32 s10, $0x11;
	s13 =	sshra.s32 s13, $0x11  }
0xae: {  	s1 =	sadd.s32 s2, s21;
	s2 =	sshra.s32 s0, $0x1F;
	s25 =	sshra.s32 s8, $0x11  }
0xaf: {  	v6 =	vmov s22;
	v7 =	vmov s10;
	s21 =	sshra.s32 s16, $0x11;
	s22 =	sshrl.u32 s20, $0x1F;
	s10 =	sshra.s32 s16, $0x1F  }
0xb0: {  	v2 =	vmovc v4;
	v5 =	vmov s18;
	v9 =	vmov s13;
	s18 =	sshra.s32 s20, $0x11;
	s20 =	sshra.s32 s12, $0x11;
	s13 =	sshrl.u32 s31, $0x1F;
	v4 =	vmov s2  }
0xb1: {  	v5 =	vsel vm0, s22, v5;
	s22 =	sshrl.u32 s24, $0x1F;
	v7 =	vsel vm0, s18, v7;
	s18 =	sshra.s32 s1, $0x1F;
	v4 =	vsel vm3, s25, v4;
	s25 =	sshra.s32 s8, $0x1F  }
0xb2: {  	v9 =	vsel vm0, s20, v9;
	s20 =	sshrl.u32 s11, $0x1F;
	s8 =	sshrl.u32 s8, $0x1F;
	v4 =	vsel vm9, s25, v4;
	s25 =	sshrl.u32 s12, $0x1F  }
0xb3: {  	v5 =	vsel vm1, s22, v5;
	v8 =	vmov s8;
	s12 =	sshrl.u32 s17, $0x1F;
	s8 =	sshra.s32 s5, $0x1F;
	v4 =	vsel vm0, s21, v4;
	s21 =	sshra.s32 s1, $0x11  }
0xb4: {  	v6 =	vsel vm0, s25, v6;
	s25 =	rddreg [dreg:$0x10];
	v5 =	vsel vm2, s12, v5;
	s1 =	sshrl.u32 s1, $0x1F;
	s12 =	sshra.s32 s4, $0x1F  }
0xb5: {  	s2 =	smul.u32 $0x431BDE83, s8;
	v4 =	vsel vm10, s10, v4;
	s9 =	sadd.s32 s9, s25;
	s25 =	sshra.s32 s11, $0x11  }
0xb6: {  	v6 =	vsel vm1, s20, v6;
	s20 =	sshra.s32 s6, $0x1F;
	s10 =	rddreg [dreg:$0x7];
	v4 =	vsel vm1, s21, v4;
	s21 =	sshra.s32 s24, $0x11  }
0xb7: {  	v8 =	vnsel vm3, $0x0, v8;
	s22 =	sshra.s32 s9, $0x11;
	s24 =	sshrl.u32 s16, $0x1F;
	s11 =	sshra.s32 s9, $0x1F  }
0xb8: {  	v9 =	vsel vm1, s25, v9;
	s16 =	sshra.s32 s6, $0x11;
	v6 =	vsel vm2, s13, v6;
	s25 =	sshrl.u32 s6, $0x1F;
	s13 =	rddreg [dreg:$0xe];
	v4 =	vsel vm11, s18, v4  }
0xb9: {  	v7 =	vsel vm1, s21, v7;
	v8 =	vsel vm0, s24, v8;
	s18 =	sshra.s32 s17, $0x11;
	s21 =	sshrl.u32 s9, $0x1F;
	s24 =	sshra.s32 s4, $0x11;
	v4 =	vsel vm2, s22, v4  }
0xba: {  	s17 =	sshrl.u32 s4, $0x1F;
	s9 =	smulhi.u32 $0x431BDE83, s13;
	s4 =	sshra.s32 s26, $0x1F;
	v4 =	vsel vm12, s11, v4  }
0xbb: {  	v8 =	vsel vm1, s1, v8;
	s4 =	smul.u32 $0x431BDE83, s4;
	s11 =	rddreg [dreg:$0xf];
	v4 =	vsel vm4, s16, v4;
	s16 =	sshra.s32 s13, $0x1F  }
0xbc: {  	s22 =	sshra.s32 s31, $0x11;
	v8 =	vsel vm2, s21, v8;
	s6 =	sadd.s32 s11, s10;
	v4 =	vsel vm13, s20, v4;
	s20 =	smul.u32 $0x431BDE83, s16  }
0xbd: {  	v5 =	vcombine.low v6, v5;
	v6 =	vsel vm4, s25, v8;
	s10 =	sshra.s32 s7, $0x1F;
	s16 =	sshra.s32 s14, $0x1F;
	s14 =	smulhi.u32 $0x431BDE83, s14  }
0xbe: {  	v7 =	vsel vm2, s18, v7;
	v6 =	vsel vm5, s17, v6;
	s21 =	sshrl.u32 s6, $0x1F;
	v4 =	vsel vm5, s24, v4;
	s24 =	sshra.s32 s3, $0x1F;
	s3 =	smulhi.u32 $0x431BDE83, s3  }
0xbf: {  	v9 =	vsel vm2, s22, v9;
	s18 =	sshra.s32 s6, $0x11;
	v6 =	vsel vm6, s21, v6;
	s21 =	smul.u32 $0x431BDE83, s10;
	v4 =	vsel vm14, s12, v4  }
0xc0: {  	v7 =	vcombine.low v9, v7;
	s22 =	sshra.s32 s6, $0x1F;
	s17 =	sshra.s32 s15, $0x1F;
	s8 =	smul.u32 $0x431BDE83, s16;
	v4 =	vsel vm6, s18, v4  }
0xc1: {  	v5 =	vperm.xlane v5, v0;
	s25 =	sshrl.u32 s0, $0x1F;
	s0 =	sshra.s32 s0, $0x11;
	s16 =	smul.u32 $0x431BDE83, s17;
	v4 =	vsel vm15, s22, v4  }
0xc2: {  	v7 =	vperm.xlane v7, v0;
	v6 =	vsel vm7, s25, v6;
	s13 =	smul.u32 $0x431BDE83, s24;
	v4 =	vsel vm7, s0, v4  }
0xc3: {  	s12 =	sshra.s32 s28, $0x1F;
	s25 =	smulhi.u32 $0x431BDE83, s7;
	s7 =	sshra.s32 s29, $0x1F;
	v6 =	vperm.xlane v6, v1;
	v4 =	vperm.xlane v4, v1  }
0xc4: {  	s18 =	rddreg [dreg:$0x5];
	s12 =	smul.u32 $0x431BDE83, s12;
	s0 =	sadd.s32 s20, s9  }
0xc5: {  	s1 =	sadd.s32 s13, s3;
	v5 =	vsel vm8, v6, v5;
	s20 =	smulhi.u32 $0x431BDE83, s5;
	s9 =	sshra.s32 s0, $0x1F;
	v4 =	vsel vm8, v4, v7  }
0xc6: {  	s7 =	smul.u32 $0x431BDE83, s7;
	s22 =	sshra.s32 s1, $0x11;
	s24 =	sshra.s32 s1, $0x1F;
	v6 =	vmov s9;
	v4 =	vadd.s32 v5, v4  }
0xc7: {  	s5 =	sadd.s32 s21, s25;
	s21 =	rddreg [dreg:$0x6];
	s13 =	sadd.s32 s2, s20;
	v5 =	vsel vm3, s22, v6;
	v4 =	vmul.u32 $0x7A120, v4  }
0xc8: {  	s2 =	sshra.s32 s21, $0x2;
	s21 =	rddreg [dreg:$0xc];
	s3 =	sshra.s32 s13, $0x11;
	v5 =	vsel vm9, s24, v5  }
0xc9: {  	s9 =	sshra.s32 s13, $0x1F;
	s10 =	sshra.s32 s21, $0x1F;
	s22 =	smulhi.u32 $0x431BDE83, s15;
	v3 =	vsub.s32 v3, v4;
	v4 =	vsel vm0, s3, v5  }
0xca: {  	s11 =	sshra.s32 s19, $0x1F;
	s17 =	sshra.s32 s5, $0x11;
	s10 =	smul.u32 $0x431BDE83, s10;
	[tilespmem:s18+$0x600] =	vst v3;
	v3 =	vsel vm10, s9, v4  }
0xcb: {  	s24 =	smul.u32 $0x431BDE83, s11;
	s11 =	sshra.s32 s30, $0x1F;
	v4 =	vsel vm1, s17, v3;
	v3 =	vld [tilespmem:s2+$0x200]  }
0xcc: {  	s25 =	sshra.s32 s23, $0x1F;
	s11 =	smul.u32 $0x431BDE83, s11  }
0xcd: {  	s1 =	sshrl.u32 s1, $0x1F;
	s3 =	sadd.s32 s8, s14;
	s8 =	smul.u32 $0x431BDE83, s25  }
0xce: {  	s20 =	sshra.s32 s5, $0x1F;
	s5 =	sshrl.u32 s5, $0x1F;
	s25 =	smulhi.u32 $0x431BDE83, s28  }
0xcf: {  	v6 =	vmov s1;
	s1 =	sadd.s32 s16, s22;
	s22 =	rddreg [dreg:$0xd];
	s17 =	smulhi.u32 $0x431BDE83, s19  }
0xd0: {  	s13 =	sshrl.u32 s13, $0x1F;
	s14 =	sshra.s32 s22, $0x1F;
	s19 =	smulhi.u32 $0x431BDE83, s26;
	(v2sf) =	vpush v3, $0xF  }
0xd1: {  	s15 =	sshra.s32 s3, $0x11;
	s16 =	sshra.s32 s3, $0x1F;
	s3 =	sshrl.u32 s3, $0x1F;
	(v2sf) =	vpush v3, $0xB  }
0xd2: {  	v5 =	vsel vm11, s20, v4;
	s20 =	sshra.s32 s1, $0x11;
	s6 =	sadd.s32 s24, s17;
	s9 =	sadd.s32 s4, s19;
	(v2sf) =	vpush v3, $0x6  }
0xd3: {  	s19 =	rddreg [dreg:$0x9];
	s17 =	smulhi.u32 $0x431BDE83, s29;
	s24 =	sshrl.u32 s6, $0x1F;
	(v2sf) =	vpush v3, $0xE  }
0xd4: {  	v5 =	vsel vm2, s15, v5;
	s4 =	sshra.s32 s19, $0x1F;
	s26 =	sshrl.u32 s9, $0x1F;
	s6 =	sshra.s32 s6, $0x11  }
0xd5: {  	v5 =	vsel vm12, s16, v5;
	s15 =	sshra.s32 s9, $0x11;
	s9 =	sadd.s32 s12, s25;
	s16 =	smulhi.u32 $0x431BDE83, s30;
	(v2sf) =	vpush v3, $0xA  }
0xd6: {  	s25 =	sshra.s32 s1, $0x1F;
	s1 =	sshrl.u32 s1, $0x1F;
	v5 =	vsel vm4, s20, v5;
	v7 =	vmov s24;
	s24 =	smulhi.u32 $0x431BDE83, s23;
	(v2sf) =	vpush v3, $0xD  }
0xd7: {  	s20 =	rddreg [dreg:$0xa];
	v8 =	vmov s26;
	v10 =	vmov s15;
	s26 =	sshrl.u32 s9, $0x1F;
	s15 =	smul.u32 $0x431BDE83, s14;
	(v2sf) =	vpush v3, $0x9  }
0xd8: {  	v6 =	vnsel vm3, $0x0, v6;
	s7 =	sadd.s32 s7, s17;
	s17 =	sshra.s32 s9, $0x11;
	s23 =	smulhi.u32 $0x431BDE83, s22  }
0xd9: {  	v6 =	vsel vm0, s13, v6;
	s4 =	smul.u32 $0x431BDE83, s4;
	s9 =	sshrl.u32 s0, $0x1F;
	s13 =	sshra.s32 s20, $0x1F;
	(v2sf) =	vpush v3, $0x5  }
0xda: {  	v9 =	vmov s6;
	v7 =	vsel vm0, s26, v7;
	s6 =	sshrl.u32 s7, $0x1F;
	s26 =	sadd.s32 s11, s16;
	s12 =	smul.u32 $0x431BDE83, s13;
	(v2sf) =	vpush v3, $0xC  }
0xdb: {  	s8 =	sadd.s32 s8, s24;
	s11 =	sadd.s32 s15, s23;
	s15 =	smulhi.u32 $0x431BDE83, s21  }
0xdc: {  	v6 =	vsel vm1, s5, v6;
	s24 =	sshra.s32 s7, $0x11;
	s5 =	sshrl.u32 s26, $0x1F;
	s21 =	smulhi.u32 $0x431BDE83, s20;
	(v2sf) =	vpush v3, $0x8  }
0xdd: {  	v5 =	vsel vm13, s25, v5;
	s14 =	sshra.s32 s26, $0x11;
	s23 =	smulhi.u32 $0x431BDE83, s19;
	s25 =	sshra.s32 s8, $0x11;
	(v2sf) =	vpush v3, $0x4  }
0xde: {  	v4 =	vld [tilespmem:s2+$0x0];
	v9 =	vsel vm0, s17, v9;
	s13 =	sshrl.u32 s11, $0x1F;
	s16 =	sshra.s32 s11, $0x11;
	s17 =	sshra.s32 s8, $0x1F;
	(v2sf) =	vpush v3, $0x3  }
0xdf: {  	v6 =	vsel vm2, s3, v6;
	s8 =	sshrl.u32 s8, $0x1F;
	s22 =	sadd.s32 s10, s15;
	(v2sf) =	vpush v3, $0x2;
	s3 =	spop (v2sf)  }
0xe0: {  	v8 =	vsel vm0, s6, v8;
	v7 =	vsel vm1, s5, v7;
	s6 =	sadd.s32 s12, s21;
	(v2sf) =	vpush v3, $0x1;
	s20 =	smulhi.u32 $0x431BDE83, s3;
	s5 =	spop (v2sf)  }
0xe1: {  	v6 =	vsel vm4, s1, v6;
	s4 =	sadd.s32 s4, s23;
	(v2sf) =	vpush v3, $0x0;
	s21 =	smulhi.u32 $0x431BDE83, s5;
	s7 =	spop (v2sf)  }
0xe2: {  	v10 =	vsel vm0, s24, v10;
	v9 =	vsel vm1, s14, v9;
	s23 =	smov.u32 s2;
	(v2sf) =	vpush v3, $0x7;
	s26 =	smulhi.u32 $0x431BDE83, s7;
	s14 =	spop (v2sf)  }
0xe3: {  	v5 =	vsel vm5, s25, v5;
	v8 =	vsel vm1, s13, v8;
	s24 =	sshrl.u32 s22, $0x1F;
	[dreg:$0x5] =	wrdreg s23;
	(v2sf) =	vpush v4, $0x7;
	s10 =	smulhi.u32 $0x431BDE83, s14  }
0xe4: {  	v10 =	vsel vm1, s16, v10;
	v6 =	vsel vm5, s8, v6;
	s25 =	sshrl.u32 s6, $0x1F;
	(v2sf) =	vpush v4, $0x0;
	s15 =	spop (v2sf);
	[dreg:$0x7] =	wrdreg s26  }
0xe5: {  	v5 =	vsel vm14, s17, v5;
	s13 =	sshrl.u32 s4, $0x1F;
	v8 =	vsel vm2, s25, v8;
	(v2sf) =	vpush v4, $0x1;
	s25 =	smulhi.u32 $0x431BDE83, s15;
	s19 =	spop (v2sf)  }
0xe6: {  	s1 =	sshra.s32 s22, $0x11;
	v7 =	vsel vm2, s24, v7;
	v6 =	vsel vm6, s13, v6;
	(v2sf) =	vpush v4, $0x2;
	s31 =	smulhi.u32 $0x431BDE83, s19;
	s26 =	spop (v2sf)  }
0xe7: {  	s11 =	sshra.s32 s6, $0x11;
	s24 =	rddreg [dreg:$0x6];
	v7 =	vcombine.low v8, v7;
	v8 =	vsel vm2, s1, v9;
	(v2sf) =	vpush v4, $0x3;
	s16 =	smulhi.u32 $0x431BDE83, s26  }
.Ltmp0:
0xe8: {  	s12 =	sshra.s32 s4, $0x11;
	v9 =	vsel vm2, s11, v10;
	v6 =	vsel vm7, s9, v6;
	(v2sf) =	vpush v4, $0x4;
	s28 =	spop (v2sf);
	(pc) =	sbr.rel @p0 .LBB2_2-.Ltmp0, $4  }
0xe9: {  	s17 =	sshra.s32 s4, $0x1F;
	v8 =	vcombine.low v9, v8;
	v9 =	vsel vm6, s12, v5;
	(v2sf) =	vpush v4, $0xC;
	s22 =	smulhi.u32 $0x431BDE83, s28;
	s29 =	spop (v2sf)  }
0xea: {  	s0 =	sshra.s32 s0, $0x11;
	v5 =	vperm.xlane v7, v0;
	v7 =	vsel vm15, s17, v9;
	(v2sf) =	vpush v4, $0x8;
	[dreg:$0x8] =	wrdreg s16;
	s9 =	smulhi.u32 $0x431BDE83, s29  }
0xeb: {  	s4 =	smov.u32 s18;
	v6 =	vperm.xlane v6, v1;
	v9 =	vsel vm7, s0, v7;
	(v2sf) =	vpush v4, $0xD;
	s30 =	spop (v2sf);
	[dreg:$0xb] =	wrdreg s22  }
0xec: {  	s0 =	sadd.s32 $0x40, s24;
	v7 =	vperm.xlane v8, v0;
	v8 =	vperm.xlane v9, v1;
	s1 =	smulhi.u32 $0x431BDE83, s30;
	(v2sf) =	vpush v4, $0x9;
	s23 =	spop (v2sf)  }
0xed: {  	s0 =	smulhi.u32 $0x431BDE83, s23;
	s24 =	spop (v2sf)  }
0xee: {  	s8 =	sshra.s32 s5, $0x1F;
	s2 =	smulhi.u32 $0x431BDE83, s24  }
0xef: {  	s11 =	sshra.s32 s7, $0x1F;
	s8 =	smul.u32 $0x431BDE83, s8  }
0xf0: {  	s6 =	sshra.s32 s3, $0x1F;
	s12 =	sshra.s32 s14, $0x1F;
	s3 =	smul.u32 $0x431BDE83, s11  }
0xf1: {  	s13 =	sshra.s32 s15, $0x1F;
	s11 =	smul.u32 $0x431BDE83, s12  }
0xf2: {  	s14 =	sshra.s32 s19, $0x1F;
	s12 =	smul.u32 $0x431BDE83, s13  }
0xf3: {  	s19 =	sshra.s32 s23, $0x1F;
	s13 =	smul.u32 $0x431BDE83, s14  }
0xf4: {  	s23 =	smul.u32 $0x431BDE83, s19  }
0xf5: {  	s15 =	sshra.s32 s26, $0x1F;
	[smem:$0x7E3] =	sst s2;
	s2 =	smul.u32 $0x431BDE83, s6  }
0xf6: {  	s16 =	sshra.s32 s28, $0x1F;
	s6 =	smul.u32 $0x431BDE83, s15  }
0xf7: {  	s17 =	sshra.s32 s29, $0x1F;
	s15 =	smul.u32 $0x431BDE83, s16  }
0xf8: {  	s18 =	sshra.s32 s30, $0x1F;
	s22 =	spop (v2sf);
	s16 =	smul.u32 $0x431BDE83, s17  }
0xf9: {  	[smem:$0x7E0] =	sst s0;
	s17 =	smul.u32 $0x431BDE83, s18  }
0xfa: {  	s0 =	sshra.s32 s24, $0x1F;
	[smem:$0x7E5] =	sst s3;
	s3 =	smulhi.u32 $0x431BDE83, s22  }
0xfb: {  	s24 =	spop (v2sf);
	s0 =	smul.u32 $0x431BDE83, s0  }
0xfc: {  	s26 =	smulhi.u32 $0x431BDE83, s24;
	s18 =	spop (v2sf)  }
0xfd: {  	s7 =	sshra.s32 s24, $0x1F;
	s24 =	smulhi.u32 $0x431BDE83, s18  }
0xfe: {  	[smem:$0x7F9] =	sst s4;
	s28 =	smul.u32 $0x431BDE83, s7  }
0xff: {  	s18 =	sshra.s32 s18, $0x1F;
	s29 =	spop (v2sf);
	[smem:$0x7E1] =	sst s26  }
0x100: {  	s26 =	smul.u32 $0x431BDE83, s18;
	s30 =	spop (v2sf)  }
0x101: {  	s8 =	sadd.s32 s8, s21;
	[smem:$0x7E2] =	sst s28;
	s28 =	smulhi.u32 $0x431BDE83, s29  }
0x102: {  	[smem:$0x7F1] =	sst s8;
	s14 =	sshra.s32 s30, $0x1F;
	s30 =	smulhi.u32 $0x431BDE83, s30  }
0x103: {  	[smem:$0x7E4] =	sst s0;
	s7 =	sshra.s32 s29, $0x1F;
	s19 =	smul.u32 $0x431BDE83, s14  }
0x104: {  	s5 =	sshra.s32 s22, $0x1F;
	s29 =	smul.u32 $0x431BDE83, s7;
	[smem:$0x7E7] =	sst s30  }
0x105: {  	s22 =	spop (v2sf);
	s30 =	sadd.s32 s2, s20;
	[smem:$0x7E6] =	sst s19  }
0x106: {  	s14 =	sshra.s32 s22, $0x1F;
	s20 =	sadd.s32 s11, s10;
	[smem:$0x7F0] =	sst s30  }
0x107: {  	s18 =	smul.u32 $0x431BDE83, s14;
	[smem:$0x7EE] =	sst s20  }
0x108: {  	s2 =	smulhi.u32 $0x431BDE83, s22;
	s30 =	sadd.s32 s13, s31;
	s13 =	rddreg [dreg:$0x8]  }
0x109: {  	s19 =	spop (v2sf);
	[smem:$0x7E8] =	sst s18  }
0x10a: {  	[smem:$0x7E9] =	sst s2;
	s7 =	sshra.s32 s19, $0x1F;
	s22 =	spop (v2sf)  }
0x10b: {  	(v2sf) =	vpush v4, $0x5;
	s9 =	sadd.s32 s16, s9;
	s18 =	rddreg [dreg:$0xb];
	s14 =	smul.u32 $0x431BDE83, s7  }
0x10c: {  	s2 =	sadd.s32 s12, s25;
	s31 =	spop (v2sf);
	s7 =	smulhi.u32 $0x431BDE83, s22  }
0x10d: {  	s26 =	sadd.s32 s26, s24;
	[smem:$0x7EF] =	sst s2;
	s25 =	smulhi.u32 $0x431BDE83, s31  }
0x10e: {  	s8 =	sshra.s32 s31, $0x1F;
	[smem:$0x7EA] =	sst s14;
	s14 =	smulhi.u32 $0x431BDE83, s19  }
0x10f: {  	s12 =	spop (v2sf);
	s19 =	sshra.s32 s22, $0x1F;
	s10 =	smul.u32 $0x431BDE83, s8  }
0x110: {  	[smem:$0x7EC] =	sst s7;
	s22 =	sadd.s32 s6, s13;
	s21 =	smul.u32 $0x431BDE83, s19  }
0x111: {  	s16 =	sshra.s32 s12, $0x1F;
	s6 =	sld [smem:$0x7E0];
	s19 =	spop (v2sf)  }
0x112: {  	s20 =	sadd.s32 s15, s18;
	[smem:$0x7EB] =	sst s21;
	s21 =	smul.u32 $0x431BDE83, s16  }
0x113: {  	[smem:$0x7ED] =	sst s10;
	s0 =	sshra.s32 s19, $0x1F;
	s16 =	smulhi.u32 $0x431BDE83, s12  }
0x114: {  	s31 =	spop (v2sf);
	s13 =	smul.u32 $0x431BDE83, s0;
	s15 =	sadd.s32 s23, s6  }
0x115: {  	s23 =	sadd.s32 s29, s28;
	s28 =	smulhi.u32 $0x431BDE83, s19;
	s19 =	sld [smem:$0x7E1]  }
0x116: {  	(v2sf) =	vpush v4, $0xE;
	s2 =	sshra.s32 s31, $0x1F;
	s24 =	smulhi.u32 $0x431BDE83, s31;
	s31 =	sld [smem:$0x7E2]  }
0x117: {  	s29 =	spop (v2sf);
	s6 =	sld [smem:$0x7E3]  }
0x118: {  	s12 =	smul.u32 $0x431BDE83, s2;
	s0 =	spop (v2sf);
	s7 =	sshra.s32 s29, $0x1F  }
0x119: {  	s17 =	sadd.s32 s17, s1;
	s10 =	smul.u32 $0x431BDE83, s7;
	s7 =	sld [smem:$0x7E4]  }
0x11a: {  	s1 =	spop (v2sf);
	s2 =	sadd.s32 s31, s19;
	s19 =	sld [smem:$0x7E5]  }
0x11b: {  	s18 =	sshra.s32 s1, $0x1F;
	s31 =	sld [smem:$0x7E6]  }
0x11c: {  	s6 =	sadd.s32 s7, s6;
	s7 =	smul.u32 $0x431BDE83, s18;
	s18 =	rddreg [dreg:$0x7]  }
0x11d: {  	s16 =	sadd.s32 s21, s16;
	s11 =	sadd.s32 s19, s18;
	s18 =	sld [smem:$0x7E7]  }
0x11e: {  	s5 =	smul.u32 $0x431BDE83, s5;
	[smem:$0x7F4] =	sst s16  }
0x11f: {  	s21 =	sadd.s32 s13, s28;
	s28 =	sadd.s32 s12, s24;
	s12 =	sld [smem:$0x7EE]  }
0x120: {  	s5 =	sadd.s32 s5, s3;
	s3 =	sadd.s32 s31, s18;
	s31 =	sld [smem:$0x7E8]  }
0x121: {  	s29 =	smulhi.u32 $0x431BDE83, s29;
	s13 =	sshrl.u32 s26, $0x1F;
	s18 =	sld [smem:$0x7E9]  }
0x122: {  	s8 =	sshra.s32 s0, $0x1F;
	s4 =	smulhi.u32 $0x431BDE83, s0;
	v13 =	vmov s13;
	s13 =	sld [smem:$0x7F1]  }
0x123: {  	s8 =	smul.u32 $0x431BDE83, s8;
	[smem:$0x7F3] =	sst s28  }
0x124: {  	s24 =	sshrl.u32 s17, $0x1F;
	s19 =	sadd.s32 s31, s18;
	s31 =	sld [smem:$0x7EA]  }
0x125: {  	s0 =	spop (v2sf);
	v11 =	vmov s24;
	s24 =	sld [smem:$0x7F0]  }
0x126: {  	s17 =	sshra.s32 s17, $0x11;
	s16 =	smulhi.u32 $0x431BDE83, s0;
	s18 =	sld [smem:$0x7EB]  }
0x127: {  	s4 =	sadd.s32 s8, s4;
	s14 =	sadd.s32 s31, s14;
	s31 =	sld [smem:$0x7EC]  }
0x128: {  	s28 =	sshra.s32 s30, $0x11;
	v14 =	vmov s17;
	s17 =	sshra.s32 s15, $0x1F;
	[smem:$0x7F6] =	sst s4  }
0x129: {  	[smem:$0x7F2] =	sst s3;
	s3 =	smulhi.u32 $0x431BDE83, s1;
	s1 =	sshra.s32 s0, $0x1F  }
0x12a: {  	s0 =	sshra.s32 s2, $0x11;
	s18 =	sadd.s32 s18, s31;
	s31 =	sld [smem:$0x7ED]  }
0x12b: {  	s1 =	smul.u32 $0x431BDE83, s1;
	s8 =	sadd.s32 s7, s3;
	s7 =	sshra.s32 s9, $0x11  }
0x12c: {  	s3 =	sshra.s32 s2, $0x1F;
	[smem:$0x7F7] =	sst s8;
	s8 =	sshra.s32 s26, $0x11;
	v12 =	vmov s7  }
0x12d: {  	s7 =	sshra.s32 s6, $0x1F;
	v12 =	vsel vm0, s28, v12;
	s28 =	sshra.s32 s19, $0x11;
	s25 =	sadd.s32 s31, s25  }
0x12e: {  	s31 =	sadd.s32 s10, s29;
	s10 =	sadd.s32 s1, s16;
	s1 =	sshrl.u32 s9, $0x1F  }
0x12f: {  	(v2sf) =	vpush v4, $0xA;
	s9 =	sshra.s32 s26, $0x1F;
	s26 =	sshrl.u32 s30, $0x1F;
	s29 =	sshrl.u32 s22, $0x1F  }
0x130: {  	(v2sf) =	vpush v4, $0xF;
	s22 =	sshra.s32 s22, $0x11;
	s30 =	sshrl.u32 s12, $0x1F;
	s16 =	sld [smem:$0x7EF]  }
0x131: {  	(v2sf) =	vpush v4, $0xB;
	[smem:$0x7F8] =	sst s10;
	s10 =	sshrl.u32 s2, $0x1F;
	s2 =	sshra.s32 s23, $0x1F  }
0x132: {  	(v2sf) =	vpush v4, $0x6;
	[smem:$0x7F5] =	sst s31;
	s31 =	sshra.s32 s12, $0x11;
	s12 =	sshra.s32 s5, $0x11;
	v10 =	vmov s1;
	v9 =	vmov s2  }
0x133: {  	s1 =	sshrl.u32 s24, $0x1F;
	v11 =	vsel vm0, s29, v11;
	v14 =	vsel vm0, s22, v14;
	s22 =	sshrl.u32 s11, $0x1F;
	s29 =	sshra.s32 s19, $0x1F;
	v9 =	vsel vm3, s8, v9  }
0x134: {  	v13 =	vnsel vm3, $0x0, v13;
	s19 =	sshrl.u32 s19, $0x1F;
	s2 =	sshra.s32 s5, $0x1F;
	s5 =	sshrl.u32 s5, $0x1F;
	v10 =	vsel vm0, s26, v10;
	v9 =	vsel vm9, s9, v9  }
0x135: {  	s26 =	sshra.s32 s20, $0x1F;
	v12 =	vsel vm1, s31, v12;
	v13 =	vsel vm0, s10, v13;
	s31 =	sshra.s32 s14, $0x11;
	s10 =	sshrl.u32 s21, $0x1F;
	v9 =	vsel vm0, s0, v9  }
0x136: {  	s4 =	sshrl.u32 s16, $0x1F;
	s16 =	sshra.s32 s16, $0x11;
	s8 =	sshra.s32 s24, $0x11;
	v9 =	vsel vm10, s3, v9  }
0x137: {  	s24 =	sshra.s32 s6, $0x11;
	s6 =	sshrl.u32 s6, $0x1F;
	v10 =	vsel vm1, s30, v10;
	v13 =	vsel vm1, s5, v13;
	s5 =	sshrl.u32 s18, $0x1F;
	v9 =	vsel vm1, s12, v9  }
0x138: {  	s9 =	sshrl.u32 s13, $0x1F;
	v11 =	vsel vm1, s4, v11;
	s4 =	sshrl.u32 s23, $0x1F;
	v14 =	vsel vm1, s16, v14;
	s16 =	sshra.s32 s14, $0x1F;
	v9 =	vsel vm11, s2, v9  }
0x139: {  	v10 =	vsel vm2, s1, v10;
	s1 =	sshrl.u32 s14, $0x1F;
	v13 =	vsel vm2, s6, v13;
	s6 =	sshra.s32 s21, $0x11;
	v9 =	vsel vm2, s24, v9;
	s24 =	sld [smem:$0x7F2]  }
0x13a: {  	s0 =	sshra.s32 s13, $0x11;
	s13 =	sshra.s32 s15, $0x11;
	v11 =	vsel vm2, s9, v11;
	s9 =	sshra.s32 s18, $0x11  }
0x13b: {  	v5 =	vsel vm8, v6, v5;
	v7 =	vsel vm8, v8, v7;
	s3 =	sshrl.u32 s15, $0x1F;
	s15 =	sshra.s32 s20, $0x11;
	s12 =	sshrl.u32 s20, $0x1F  }
0x13c: {  	v5 =	vadd.s32 v5, v7;
	v16 =	vmov s19;
	s20 =	sshra.s32 s11, $0x11;
	s2 =	sshra.s32 s11, $0x1F;
	v9 =	vsel vm12, s7, v9;
	s30 =	sshra.s32 s24, $0x1F  }
0x13d: {  	v13 =	vsel vm4, s3, v13;
	s11 =	sshra.s32 s23, $0x11;
	v9 =	vsel vm4, s13, v9;
	s13 =	sshra.s32 s18, $0x1F;
	s18 =	sld [smem:$0x7F4];
	v15 =	vmov s30  }
0x13e: {  	v13 =	vsel vm5, s12, v13;
	s12 =	sshra.s32 s25, $0x11;
	v9 =	vsel vm13, s17, v9;
	s17 =	sshra.s32 s25, $0x1F;
	v15 =	vsel vm3, s28, v15;
	s28 =	spop (v2sf)  }
0x13f: {  	v12 =	vsel vm2, s8, v12;
	v9 =	vsel vm5, s15, v9;
	v15 =	vsel vm9, s29, v15;
	s14 =	spop (v2sf);
	s29 =	sshra.s32 s28, $0x1F;
	s8 =	smulhi.u32 $0x431BDE83, s28  }
0x140: {  	v16 =	vnsel vm3, $0x0, v16;
	v9 =	vsel vm14, s26, v9;
	s21 =	sshra.s32 s18, $0x11;
	v15 =	vsel vm0, s31, v15;
	s30 =	smul.u32 $0x431BDE83, s29;
	s31 =	sld [smem:$0x7F3]  }
0x141: {  	v17 =	vmov s10;
	v13 =	vsel vm6, s22, v13;
	v9 =	vsel vm6, s20, v9;
	s7 =	spop (v2sf);
	s22 =	sshra.s32 s14, $0x1F;
	s29 =	sld [smem:$0x7F5]  }
0x142: {  	v14 =	vsel vm2, s0, v14;
	s28 =	sshra.s32 s18, $0x1F;
	v9 =	vsel vm15, s2, v9;
	v15 =	vsel vm10, s16, v15;
	s16 =	spop (v2sf);
	s2 =	smul.u32 $0x431BDE83, s22  }
0x143: {  	v16 =	vsel vm0, s1, v16;
	v10 =	vcombine.low v11, v10;
	v11 =	vcombine.low v14, v12;
	s23 =	sshra.s32 s7, $0x1F;
	s7 =	smulhi.u32 $0x431BDE83, s7;
	s26 =	sshra.s32 s16, $0x1F  }
0x144: {  	v19 =	vmov s6;
	v16 =	vsel vm1, s5, v16;
	v15 =	vsel vm1, s9, v15;
	s0 =	sadd.s32 s30, s8;
	s9 =	sld [smem:$0x7F6];
	s19 =	smul.u32 $0x431BDE83, s23  }
0x145: {  	v6 =	vperm.xlane v10, v0;
	v10 =	vperm.xlane v11, v0;
	v13 =	vsel vm7, s4, v13;
	s23 =	sshrl.u32 s18, $0x1F;
	s8 =	smulhi.u32 $0x431BDE83, s16;
	s15 =	sshrl.u32 s31, $0x1F  }
0x146: {  	v8 =	vperm.xlane v13, v1;
	v9 =	vsel vm7, s11, v9;
	s3 =	sshra.s32 s31, $0x11;
	v15 =	vsel vm11, s13, v15;
	s30 =	sshrl.u32 s29, $0x1F;
	s31 =	sshrl.u32 s25, $0x1F  }
0x147: {  	v9 =	vperm.xlane v9, v1;
	s10 =	sshra.s32 s29, $0x11;
	s25 =	smul.u32 $0x431BDE83, s26;
	s26 =	sld [smem:$0x7F8];
	v15 =	vsel vm2, s12, v15;
	v18 =	vmov s15  }
0x148: {  	s29 =	sshrl.u32 s0, $0x1F;
	v17 =	vsel vm0, s30, v17;
	s30 =	smulhi.u32 $0x431BDE83, s14;
	v19 =	vsel vm0, s10, v19;
	s10 =	sadd.s32 s19, s7;
	v15 =	vsel vm12, s17, v15  }
0x149: {  	v20 =	vmov s3;
	v16 =	vsel vm2, s31, v16;
	s11 =	sshrl.u32 s9, $0x1F;
	s12 =	sshra.s32 s9, $0x11;
	v15 =	vsel vm4, s21, v15;
	s21 =	sld [smem:$0x7F7]  }
0x14a: {  	s0 =	sshra.s32 s0, $0x11;
	v16 =	vsel vm4, s23, v16;
	s13 =	sshrl.u32 s10, $0x1F;
	v18 =	vsel vm0, s11, v18;
	s31 =	sshra.s32 s26, $0x11;
	v20 =	vsel vm0, s12, v20  }
0x14b: {  	s14 =	sshra.s32 s10, $0x11;
	s2 =	sadd.s32 s2, s30;
	v15 =	vsel vm13, s28, v15;
	s28 =	sshrl.u32 s26, $0x1F;
	v18 =	vsel vm1, s29, v18;
	v19 =	vsel vm1, s31, v19  }
0x14c: {  	s11 =	sshrl.u32 s2, $0x1F;
	v20 =	vsel vm1, s0, v20;
	s2 =	sshra.s32 s2, $0x11;
	v17 =	vsel vm1, s28, v17;
	v18 =	vsel vm2, s13, v18;
	s22 =	sshra.s32 s21, $0x11  }
0x14d: {  	s12 =	sadd.s32 s25, s8;
	v19 =	vsel vm2, s2, v19;
	v20 =	vsel vm2, s14, v20;
	s6 =	sshra.s32 s21, $0x1F;
	v15 =	vsel vm5, s22, v15  }
0x14e: {  	s15 =	sshra.s32 s12, $0x11;
	s9 =	sshrl.u32 s21, $0x1F;
	v17 =	vsel vm2, s11, v17;
	v62 =	vcombine.low v20, v19;
	v15 =	vsel vm14, s6, v15  }
0x14f: {  	s16 =	sshrl.u32 s12, $0x1F;
	s0 =	sshra.s32 s12, $0x1F;
	v16 =	vsel vm5, s9, v16;
	v61 =	vcombine.low v18, v17;
	v15 =	vsel vm6, s15, v15  }
0x150: {  	s18 =	sshra.s32 s24, $0x11;
	s17 =	sshrl.u32 s24, $0x1F;
	v16 =	vsel vm6, s16, v16;
	v7 =	vperm.xlane v62, v0;
	v60 =	vsel vm15, s0, v15  }
0x151: {  	v16 =	vsel vm7, s17, v16;
	v11 =	vperm.xlane v61, v0;
	v12 =	vsel vm7, s18, v60  }
0x152: {  	v63 =	vperm.xlane v16, v1;
	v12 =	vperm.xlane v12, v1  }
0x153: {  	v5 =	vmul.u32 $0x7A120, v5;
	v6 =	vsel vm8, v8, v6;
	v8 =	vsel vm8, v9, v10  }
0x154: {  	s19 =	sld [smem:$0x7F9];
	v6 =	vadd.s32 v6, v8;
	v8 =	vsel vm8, v63, v11;
	v7 =	vsel vm8, v12, v7  }
0x155: {  	v6 =	vmul.u32 $0x7A120, v6;
	v7 =	vadd.s32 v8, v7  }
0x156: {  	v2 =	vsub.s32 v2, v5;
	v5 =	vmul.u32 $0x7A120, v7  }
0x157: {  	s20 =	rddreg [dreg:$0x5];
	[tilespmem:s19+$0x400] =	vst v2;
	v2 =	vsub.s32 v3, v6  }
0x158: {  	s4 =	simm.s32 $0x200;
	[tilespmem:s20+$0x600] =	vst v2;
	v2 =	vsub.s32 v4, v5  }
0x159: {  	s23 =	simm.s32 $0x800;
	s21 =	rddreg [dreg:$0x1a];
	s22 =	simm.s32 $0x400;
	[tilespmem:s20+$0x400] =	vst v2  }
0x15a: {  	[tilespmem:s23], [sflag:$0x1] =	stream.indirect.gather [hbm4b:s21+s4], $0x1, s22, s4, $0xb8;
	[tilespmem:$0x1200] =	vst v63  }
0x15b: {  	s24 =	rddreg [dreg:$0x1b];
	s25 =	simm.s32 $0xA00  }
0x15c: {  	[tilespmem:s25], [sflag:$0x1] =	stream.indirect.gather [hbm4b:s24+s4], $0x1, s22, s4, $0xb8;
	[tilespmem:$0x1200] =	vst v63  }
0x15d: {  	s26 =	rddreg [dreg:$0x1c];
	s29 =	simm.s32 $0xC00;
	s28 =	simm.s32 $0x600  }
0x15e: {  	[tilespmem:s29], [sflag:$0x1] =	stream.indirect.gather [hbm4b:s26+s4], $0x1, s28, s4, $0xb8;
	[tilespmem:$0x1200] =	vst v63  }
0x15f: {  	s5 =	simm.s32 $0x1;
	s30 =	rddreg [dreg:$0x2];
	s31 =	simm.s32 $0xE00  }
0x160: {  	[tilespmem:s31], [sflag:$0x1] =	stream.indirect.gather [hbm4b:s30+s4], $0x1, s28, s4, $0xb8;
	[tilespmem:$0x1200] =	vst v63  }
0x161: {  	_ =	swait.ge [sflag:s5], $0x200  }
0x162: {  	[sflag:s5] =	ssyncset.done $0x0  }
0x163: {  	[sflag:s5] =	ssyncadd.s32 $0xFFFFFE00  }
0x164: {  	_ =	swait.ge [sflag:s5], $0x200  }
0x165: {  	[sflag:s5] =	ssyncset.done $0x0  }
0x166: {  	[sflag:s5] =	ssyncadd.s32 $0xFFFFFE00  }
0x167: {  	_ =	swait.ge [sflag:s5], $0x200  }
0x168: {  	[sflag:s5] =	ssyncset.done $0x0  }
0x169: {  	[sflag:s5] =	ssyncadd.s32 $0xFFFFFE00  }
0x16a: {  	_ =	swait.ge [sflag:s5], $0x200  }
0x16b: {  	[sflag:s5] =	ssyncset.done $0x0  }
0x16c: {  	s0 =	simm.s32 $0x0;
	[sflag:s5] =	ssyncadd.s32 $0xFFFFFE00  }
0x16d: {  	v6 =	vld [tilespmem:s0+$0x800]  }
0x16e: {  	v7 =	vld [tilespmem:s0+$0xA00]  }
0x16f: {  	v8 =	vld [tilespmem:s0+$0xC00]  }
0x170: {  	v9 =	vld [tilespmem:s0+$0x0]  }
0x171: {  	v10 =	vld [tilespmem:s0+$0x200]  }
0x172: {  	s1 =	simm.s32 $0x10;
	v11 =	vld [tilespmem:s0+$0xE00]  }
0x173: {  	v2 =	vld [tilespmem:s1+$0x800]  }
0x174: {  	v3 =	vld [tilespmem:s1+$0xA00]  }
0x175: {  	v4 =	vld [tilespmem:s1+$0xC00]  }
0x176: {  	v5 =	vld [tilespmem:s1+$0x0];
	vm9 =	vlt.s32 v9, $0x7A120;
	vm10 =	vlt.s32 v10, $0x7A120  }
0x177: {  	s2 =	simm.s32 $0x80;
	v7 =	vsel vm9, v6, v7;
	v8 =	vsel vm10, v8, v11;
	v6 =	vld [tilespmem:s1+$0x200]  }
.LBB2_4:
0x178: {  	s3 =	sshra.s32 s2, $0x2;
	v9 =	vld [tilespmem:s1+$0xE00];
	v7 =	vadd.f32 v8, v7;
	v8 =	vmov v2;
	p0 =	sne.s32 s2, $0x7C0  }
.Ltmp1:
0x179: {  	v2 =	vld [tilespmem:s3+$0x800];
	v10 =	vmov v3;
	(pc) =	sbr.rel @p0 .LBB2_4-.Ltmp1, $4  }
0x17a: {  	v3 =	vld [tilespmem:s3+$0xA00];
	[tilespmem:s0+$0x1000] =	vst v7;
	v11 =	vmov v4;
	s0 =	smov.u32 s1;
	s1 =	smov.u32 s3  }
0x17b: {  	v4 =	vld [tilespmem:s1+$0xC00]  }
0x17c: {  	s2 =	sadd.s32 $0x40, s2;
	vm9 =	vlt.s32 v5, $0x7A120;
	v5 =	vld [tilespmem:s1+$0x0];
	vm10 =	vlt.s32 v6, $0x7A120  }
0x17d: {  	v7 =	vsel vm9, v8, v10;
	v6 =	vld [tilespmem:s1+$0x200];
	v8 =	vsel vm10, v11, v9  }
0x17e: {  	v9 =	vld [tilespmem:s1+$0xE00];
	_ =	sdelay $0x3  }
0x17f: {  	vm9 =	vlt.s32 v5, $0x7A120;
	vm10 =	vlt.s32 v6, $0x7A120  }
0x180: {  	v63 =	vadd.f32 v8, v7;
	v2 =	vsel vm9, v2, v3;
	v3 =	vsel vm10, v4, v9  }
0x181: {  	v2 =	vadd.f32 v3, v2  }
0x182: {  	s8 =	simm.s32 $0x0;
	[tilespmem:s0+$0x1000] =	vst v63  }
0x183: {  	s28 =	rddreg [dreg:$0x1f];
	s29 =	simm.s32 $0x1000;
	s30 =	simm.s32 $0x2;
	[tilespmem:s1+$0x1000] =	vst v2  }
0x184: {  	[hbm4b:s28+s8] =	stream.linear.scatter [tilespmem:s29], [sflag:$0x2], $0x200, $0x38;
	[tilespmem:$0x1200] =	vst v63  }
0x185: {  	_ =	swait.ge [sflag:s30], $0x200  }
0x186: {  	s2 =	sld [smem:$0x7FA]  }
0x187: {  	s31 =	sld [smem:$0x7FD];
	_ =	sdelay $0x1  }
0x188: {  	s2 =	sadd.s32 $0x1, s2  }
0x189: {  	p0 =	sne.s32 s2, s31  }
.Ltmp2:
0x18a: {  	_ = 	snop;
	(pc) =	sbr.rel @p0 .LBB2_1-.Ltmp2, $3  }
0x18b: {  	_ =	sdelay $0x1  }
0x18c: {  	[sflag:s30] =	ssyncset.done $0x0  }
0x18d: {  	vm9 =	vcmask $0x704;
	vm10 =	vcmask $0xF0C;
	[sflag:s30] =	ssyncadd.s32 $0xFFFFFE00  }
0x18e: {  	_ =	sfence.sel $0x180000  }
0x18f: {  	[bflag:$0x0] =	sbarrier.arrive $0xFFFF  }
0x190: {  	_ =	strace $0x90000047  }
0x191: {  	s0 =	stileid.u32;
	[bflag:$0x2] =	sbarrier.arrive $0xFFFF  }
0x192: {  	p0 =	sne.s32 s0, $0x0;
	s0 =	rddreg [dreg:$0x4]  }
0x193: {  	s0 =	sadd.s32 @!p0 $0x100000, s0  }
0x194: {  	[sflag:s0] =	ssyncadd.tile.s32 @!p0 $0x1;
	_ =	shalt  }
.Lfunc_end2:
_tile_overlayer_lowered:
.L_overlay_start_2:
0x195: {  	(tag) =	ssettag $0x2  }
0x196: {  	s0 =	rddreg [dreg:$0x0];
	s2 =	stileid.u32  }
0x197: {  	s1 =	rddreg [dreg:$0x1];
	p0 =	sne.s32 s2, $0x0  }
0x198: {  	s3 =	rddreg [dreg:$0x2];
	[bflag:$0x3] =	sbarrier.arrive $0xFFFF;
	s2 =	simm.s32 @!p0 $0x1C02  }
0x199: {  	[timem:s3], [sflag:s2] =	dma.local @!p0 [hbm:s0], s1  }
0x19a: {  	s0 =	simm.s32 @!p0 $0x2  }
0x19b: {  	_ =	swait.ge @!p0 [sflag:s0], s1  }
0x19c: {  	s1 =	ssub.s32 @!p0 $0x0, s1;
	[sflag:s0] =	ssyncset.done @!p0 $0x0  }
0x19d: {  	[sflag:s0] =	ssyncadd.s32 @!p0 s1  }
0x19e: {  	[bflag:$0x3] =	sbarrier.arrive $0xFFFF  }
0x19f: {  	_ =	shalt  }

</sc_bundles>
